<compile_context>
chip_gen: v7x
topology: tpu7x:2x2x1
jax: 0.10.2.dev20260603
libtpu: 0.0.44.dev20260713+nightly
codegen_flags: <defaults>
</compile_context>

<pallas_src>
import functools
import math

import jax
import jax.numpy as jnp
from jax import lax
from jax.experimental import pallas as pl
from jax.experimental.pallas import tpu as pltpu
from jax.experimental.pallas import tpu_sc as plsc

_D = 128
_SCALE = math.sqrt(float(_D))
_NBUF = 3


def _pe_table(pos, d_embed):
    i = jnp.arange(d_embed // 2, dtype=jnp.float32)
    angle = (jnp.arange(pos, dtype=jnp.float32)[:, None]
             / jnp.power(10000.0, 2.0 * i / d_embed)[None, :])
    enc = jnp.concatenate([jnp.sin(angle)[:, :, None], jnp.cos(angle)[:, :, None]],
                          axis=-1)
    return jnp.reshape(enc, (-1, d_embed))


def _make_sc_kernel(n_rows, seq, d, n_workers):
    rows_per_w = n_rows // n_workers
    chunk = seq
    n_chunks = rows_per_w // chunk
    mesh = plsc.VectorSubcoreMesh(core_axis_name="c", subcore_axis_name="s")

    @functools.partial(
        pl.kernel,
        out_type=jax.ShapeDtypeStruct((n_rows, d), jnp.float32),
        mesh=mesh,
        scratch_types=[
            pltpu.VMEM((rows_per_w,), jnp.int32),
            pltpu.VMEM((seq, d), jnp.float32),
            [pltpu.VMEM((chunk, d), jnp.float32) for _ in range(_NBUF)],
            [pltpu.SemaphoreType.DMA for _ in range(_NBUF)],
            [pltpu.SemaphoreType.DMA for _ in range(_NBUF)],
            [pltpu.SemaphoreType.DMA for _ in range(2)],
        ],
    )
    def sc_kernel(idx_hbm, table_hbm, pe_hbm, out_hbm,
                  idx_v, pe_v, bufs, gsems, wsems, psems):
        nc = lax.axis_size("c")
        wid = lax.axis_index("s") * nc + lax.axis_index("c")
        base = wid * rows_per_w
        idx_cp = pltpu.async_copy(idx_hbm.at[pl.ds(base, rows_per_w)], idx_v,
                                  psems[0])
        pe_cp = pltpu.async_copy(pe_hbm, pe_v, psems[1])
        idx_cp.wait()

        h = (chunk // 2 + 7) // 8 * 8

        def gather_copies(k, b):
            o = k * chunk
            return (
                pltpu.make_async_copy(table_hbm.at[idx_v.at[pl.ds(o, h)]],
                                      bufs[b].at[pl.ds(0, h)], gsems[b]),
                pltpu.make_async_copy(
                    table_hbm.at[idx_v.at[pl.ds(o + h, chunk - h)]],
                    bufs[b].at[pl.ds(h, chunk - h)], gsems[b]),
            )

        def start_gather(k, b):
            for cp in gather_copies(k, b):
                cp.start()

        def wait_gather(k, b):
            for cp in gather_copies(k, b):
                cp.wait()

        def start_write(k, b):
            pltpu.async_copy(bufs[b],
                             out_hbm.at[pl.ds(base + k * chunk, chunk)], wsems[b])

        def wait_write(b):
            pltpu.make_async_copy(bufs[b],
                                  out_hbm.at[pl.ds(0, chunk)], wsems[b]).wait()

        def compute(b):
            rows = bufs[b]

            def row_body(r, c2):
                for c in range(d // 16):
                    sl = pl.ds(c * 16, 16)
                    rows[r, sl] = rows[r, sl] * _SCALE + pe_v[r, sl]
                return c2

            lax.fori_loop(0, chunk, row_body, 0, unroll=False)

        def process(k, b, first, may_prefetch):
            wait_gather(k, b)
            compute(b)
            start_write(k, b)
            bp = (b + 2) % _NBUF
            if first:
                start_gather(k + 2, bp)
            elif may_prefetch:
                @pl.when(k + 2 <= n_chunks - 1)
                def _():
                    wait_write(bp)
                    start_gather(k + 2, bp)

        start_gather(0, 0)
        start_gather(1, 1)
        pe_cp.wait()
        process(0, 0, True, False)

        def main_body(j, carry):
            k0 = 1 + j * _NBUF
            for c in range(_NBUF):
                process(k0 + c, (1 + c) % _NBUF, False, True)
            return carry

        lax.fori_loop(0, (n_chunks - 2) // _NBUF, main_body, 0, unroll=False)
        process(n_chunks - 1, (n_chunks - 1) % _NBUF, False, False)

        for b in range(_NBUF):
            wait_write(b)

    return sc_kernel


def kernel(inputs, table):
    b, s = inputs.shape
    v, d = table.shape
    n_rows = b * s
    idx = inputs.reshape(n_rows).astype(jnp.int32)
    pe = _pe_table(s, d)
    info = plsc.get_sparse_core_info()
    n_workers = info.num_cores * info.num_subcores
    out = _make_sc_kernel(n_rows, s, d, n_workers)(idx, table, pe)
    return out.reshape(b, s, d)

# --- scband reference (transcript-rebuilt; emitter-appended) ---
"""Pipeline reference for scband-positional-encoding-layer-52785148068349 (READ-ONLY COPY).

The authoritative reference and input builder live on the scoring server;
editing this copy changes nothing except your own understanding.
"""

import jax, jax.numpy as jnp
import numpy as np

VOCAB = 100000
D_MODEL = 128
BATCH = 1024
SEQ = 200

def _positional_encoding(pos, d_embed):
    assert d_embed % 2 == 0
    i = jnp.arange(d_embed // 2, dtype=jnp.float32)
    angle = jnp.arange(pos, dtype=jnp.float32)[:, None] / jnp.power(10000.0, 2.0 * i / d_embed)[None, :]
    encoded_0 = jnp.sin(angle)[:, :, None]
    encoded_1 = jnp.cos(angle)[:, :, None]
    encoded = jnp.concatenate([encoded_0, encoded_1], axis=-1)
    encoded = jnp.reshape(encoded, (-1, d_embed))
    return encoded

def setup_inputs(seed: int = 0) -> dict:
    key = jax.random.key(seed)
    k1, k2 = jax.random.split(key)
    inputs = jax.random.randint(k1, (BATCH, SEQ), 0, VOCAB, dtype=jnp.int64 if jax.config.read('jax_enable_x64') else jnp.int32).astype(jnp.int32)
    # Embedding table (learned parameter), Keras default uniform(-0.05, 0.05)
    table = jax.random.uniform(k2, (VOCAB, D_MODEL), dtype=jnp.float32, minval=-0.05, maxval=0.05)
    return {"inputs": inputs, "table": table}

def reference(inputs, table):
    pos = inputs.shape[1]
    x = jnp.take(table, inputs, axis=0)  # embedding lookup -> [B, S, d_model]
    x = x * jnp.sqrt(jnp.asarray(D_MODEL, dtype=jnp.float32))
    pe = _positional_encoding(pos, D_MODEL)
    return x + pe[None, :, :]

if __name__ == "__main__":
    import jax
    _d = setup_inputs()
    print(jax.jit(kernel)(*tuple(_d.values())))

</pallas_src>

<mosaic_0001>
#map = affine_map<(d0, d1) -> (0)>
#map1 = affine_map<(d0, d1) -> (0, 0)>
module attributes {stable_mosaic.version = 14 : i64} {
  func.func @sc_kernel(%arg0: i32, %arg1: i32, %arg2: memref<204800xi32, #tpu.memory_space<hbm>>, %arg3: memref<100000x128xf32, #tpu.memory_space<hbm>>, %arg4: memref<200x128xf32, #tpu.memory_space<hbm>>, %arg5: memref<204800x128xf32, #tpu.memory_space<hbm>>, %arg6: memref<6400xi32, #tpu.memory_space<vmem>>, %arg7: memref<200x128xf32, #tpu.memory_space<vmem>>, %arg8: memref<200x128xf32, #tpu.memory_space<vmem>>, %arg9: memref<200x128xf32, #tpu.memory_space<vmem>>, %arg10: memref<200x128xf32, #tpu.memory_space<vmem>>, %arg11: memref<!tpu.dma_semaphore, #tpu.memory_space<semaphore_mem>>, %arg12: memref<!tpu.dma_semaphore, #tpu.memory_space<semaphore_mem>>, %arg13: memref<!tpu.dma_semaphore, #tpu.memory_space<semaphore_mem>>, %arg14: memref<!tpu.dma_semaphore, #tpu.memory_space<semaphore_mem>>, %arg15: memref<!tpu.dma_semaphore, #tpu.memory_space<semaphore_mem>>, %arg16: memref<!tpu.dma_semaphore, #tpu.memory_space<semaphore_mem>>, %arg17: memref<!tpu.dma_semaphore, #tpu.memory_space<semaphore_mem>>, %arg18: memref<!tpu.dma_semaphore, #tpu.memory_space<semaphore_mem>>) attributes {dimension_semantics = [#tpu.dimension_semantics<core_parallel>, #tpu.dimension_semantics<subcore_parallel>], iteration_bounds = array<i64: 2, 16>, scalar_prefetch = 0 : i64, scratch_operands = 13 : i64, tpu.core_type = #tpu.core_type<sc_vector_subcore>, window_params = [{transform_indices = #map}, {transform_indices = #map1}, {transform_indices = #map1}, {transform_indices = #map1}]} {
    %mul3A = arith.constant 2 : i32
    %mul3A_0 = arith.muli %arg1, %mul3A : i32
    %add3A = arith.addi %mul3A_0, %arg0 : i32
    %mul3A_1 = arith.constant 6400 : i32
    %mul3A_2 = arith.muli %add3A, %mul3A_1 : i32
    %dma_start3A = tpu.memref_slice %arg2[%mul3A_2] : memref<204800xi32, #tpu.memory_space<hbm>> -> memref<6400xi32, #tpu.memory_space<hbm>>
    %dma_start3A_3 = tpu.memref_slice %arg2[%mul3A_2] : memref<204800xi32, #tpu.memory_space<hbm>> -> memref<6400xi32, #tpu.memory_space<hbm>>
    tpu.enqueue_dma source(%dma_start3A_3 : memref<6400xi32, #tpu.memory_space<hbm>>) target(%arg6 : memref<6400xi32, #tpu.memory_space<vmem>>) target_semaphore(%arg17 : memref<!tpu.dma_semaphore, #tpu.memory_space<semaphore_mem>>)
    tpu.enqueue_dma source(%arg4 : memref<200x128xf32, #tpu.memory_space<hbm>>) target(%arg7 : memref<200x128xf32, #tpu.memory_space<vmem>>) target_semaphore(%arg18 : memref<!tpu.dma_semaphore, #tpu.memory_space<semaphore_mem>>)
    %dma_wait3A = tpu.memref_slice %arg2[%mul3A_2] : memref<204800xi32, #tpu.memory_space<hbm>> -> memref<6400xi32, #tpu.memory_space<hbm>>
    %dma_wait3A_4 = tpu.memref_slice %arg2[%mul3A_2] : memref<204800xi32, #tpu.memory_space<hbm>> -> memref<6400xi32, #tpu.memory_space<hbm>>
    tpu.wait_dma2 semaphore(%arg17 : memref<!tpu.dma_semaphore, #tpu.memory_space<semaphore_mem>>) src(%dma_wait3A_4 : memref<6400xi32, #tpu.memory_space<hbm>>) dst(%arg6 : memref<6400xi32, #tpu.memory_space<vmem>>)
    %dma_start3A_5 = arith.constant 0 : i32
    %dma_start3A_6 = arith.constant 0 : i32
    %dma_start3A_7 = tpu.memref_slice %arg8[%dma_start3A_5, %dma_start3A_6] : memref<200x128xf32, #tpu.memory_space<vmem>> -> memref<104x128xf32, #tpu.memory_space<vmem>>
    %dma_start3A_8 = arith.constant 0 : i32
    %dma_start3A_9 = tpu.memref_slice %arg6[%dma_start3A_8] : memref<6400xi32, #tpu.memory_space<vmem>> -> memref<104xi32, #tpu.memory_space<vmem>>
    %dma_start3A_10 = arith.constant 0 : i32
    %dma_start3A_11 = arith.constant 0 : i32
    %dma_start3A_12 = tpu.memref_slice %arg3[%dma_start3A_10, %dma_start3A_11] : memref<100000x128xf32, #tpu.memory_space<hbm>> -> memref<100000x128xf32, #tpu.memory_space<hbm>>
    tpu.enqueue_indirect_dma source(%dma_start3A_12 : memref<100000x128xf32, #tpu.memory_space<hbm>>) target(%dma_start3A_7 : memref<104x128xf32, #tpu.memory_space<vmem>>) offsets(%dma_start3A_9 : memref<104xi32, #tpu.memory_space<vmem>>) semaphore(%arg11 : memref<!tpu.dma_semaphore, #tpu.memory_space<semaphore_mem>>)
    %dma_start3A_13 = arith.constant 104 : i32
    %dma_start3A_14 = arith.constant 0 : i32
    %dma_start3A_15 = tpu.memref_slice %arg8[%dma_start3A_13, %dma_start3A_14] : memref<200x128xf32, #tpu.memory_space<vmem>> -> memref<96x128xf32, #tpu.memory_space<vmem>>
    %dma_start3A_16 = arith.constant 104 : i32
    %dma_start3A_17 = tpu.memref_slice %arg6[%dma_start3A_16] : memref<6400xi32, #tpu.memory_space<vmem>> -> memref<96xi32, #tpu.memory_space<vmem>>
    %dma_start3A_18 = arith.constant 0 : i32
    %dma_start3A_19 = arith.constant 0 : i32
    %dma_start3A_20 = tpu.memref_slice %arg3[%dma_start3A_18, %dma_start3A_19] : memref<100000x128xf32, #tpu.memory_space<hbm>> -> memref<100000x128xf32, #tpu.memory_space<hbm>>
    tpu.enqueue_indirect_dma source(%dma_start3A_20 : memref<100000x128xf32, #tpu.memory_space<hbm>>) target(%dma_start3A_15 : memref<96x128xf32, #tpu.memory_space<vmem>>) offsets(%dma_start3A_17 : memref<96xi32, #tpu.memory_space<vmem>>) semaphore(%arg11 : memref<!tpu.dma_semaphore, #tpu.memory_space<semaphore_mem>>)
    %dma_start3A_21 = arith.constant 0 : i32
    %dma_start3A_22 = arith.constant 0 : i32
    %dma_start3A_23 = tpu.memref_slice %arg9[%dma_start3A_21, %dma_start3A_22] : memref<200x128xf32, #tpu.memory_space<vmem>> -> memref<104x128xf32, #tpu.memory_space<vmem>>
    %dma_start3A_24 = arith.constant 200 : i32
    %dma_start3A_25 = tpu.memref_slice %arg6[%dma_start3A_24] : memref<6400xi32, #tpu.memory_space<vmem>> -> memref<104xi32, #tpu.memory_space<vmem>>
    %dma_start3A_26 = arith.constant 0 : i32
    %dma_start3A_27 = arith.constant 0 : i32
    %dma_start3A_28 = tpu.memref_slice %arg3[%dma_start3A_26, %dma_start3A_27] : memref<100000x128xf32, #tpu.memory_space<hbm>> -> memref<100000x128xf32, #tpu.memory_space<hbm>>
    tpu.enqueue_indirect_dma source(%dma_start3A_28 : memref<100000x128xf32, #tpu.memory_space<hbm>>) target(%dma_start3A_23 : memref<104x128xf32, #tpu.memory_space<vmem>>) offsets(%dma_start3A_25 : memref<104xi32, #tpu.memory_space<vmem>>) semaphore(%arg12 : memref<!tpu.dma_semaphore, #tpu.memory_space<semaphore_mem>>)
    %dma_start3A_29 = arith.constant 104 : i32
    %dma_start3A_30 = arith.constant 0 : i32
    %dma_start3A_31 = tpu.memref_slice %arg9[%dma_start3A_29, %dma_start3A_30] : memref<200x128xf32, #tpu.memory_space<vmem>> -> memref<96x128xf32, #tpu.memory_space<vmem>>
    %dma_start3A_32 = arith.constant 304 : i32
    %dma_start3A_33 = tpu.memref_slice %arg6[%dma_start3A_32] : memref<6400xi32, #tpu.memory_space<vmem>> -> memref<96xi32, #tpu.memory_space<vmem>>
    %dma_start3A_34 = arith.constant 0 : i32
    %dma_start3A_35 = arith.constant 0 : i32
    %dma_start3A_36 = tpu.memref_slice %arg3[%dma_start3A_34, %dma_start3A_35] : memref<100000x128xf32, #tpu.memory_space<hbm>> -> memref<100000x128xf32, #tpu.memory_space<hbm>>
    tpu.enqueue_indirect_dma source(%dma_start3A_36 : memref<100000x128xf32, #tpu.memory_space<hbm>>) target(%dma_start3A_31 : memref<96x128xf32, #tpu.memory_space<vmem>>) offsets(%dma_start3A_33 : memref<96xi32, #tpu.memory_space<vmem>>) semaphore(%arg12 : memref<!tpu.dma_semaphore, #tpu.memory_space<semaphore_mem>>)
    tpu.wait_dma2 semaphore(%arg18 : memref<!tpu.dma_semaphore, #tpu.memory_space<semaphore_mem>>) src(%arg4 : memref<200x128xf32, #tpu.memory_space<hbm>>) dst(%arg7 : memref<200x128xf32, #tpu.memory_space<vmem>>)
    %dma_wait3A_37 = arith.constant 0 : i32
    %dma_wait3A_38 = arith.constant 0 : i32
    %dma_wait3A_39 = tpu.memref_slice %arg8[%dma_wait3A_37, %dma_wait3A_38] : memref<200x128xf32, #tpu.memory_space<vmem>> -> memref<104x128xf32, #tpu.memory_space<vmem>>
    %dma_wait3A_40 = arith.constant 0 : i32
    %dma_wait3A_41 = tpu.memref_slice %arg6[%dma_wait3A_40] : memref<6400xi32, #tpu.memory_space<vmem>> -> memref<104xi32, #tpu.memory_space<vmem>>
    %dma_wait3A_42 = arith.constant 0 : i32
    %dma_wait3A_43 = arith.constant 0 : i32
    %dma_wait3A_44 = tpu.memref_slice %arg3[%dma_wait3A_42, %dma_wait3A_43] : memref<100000x128xf32, #tpu.memory_space<hbm>> -> memref<100000x128xf32, #tpu.memory_space<hbm>>
    tpu.wait_indirect_dma semaphore(%arg11 : memref<!tpu.dma_semaphore, #tpu.memory_space<semaphore_mem>>) src(%dma_wait3A_44 : memref<100000x128xf32, #tpu.memory_space<hbm>>) dst(%dma_wait3A_39 : memref<104x128xf32, #tpu.memory_space<vmem>>)
    %dma_wait3A_45 = arith.constant 104 : i32
    %dma_wait3A_46 = arith.constant 0 : i32
    %dma_wait3A_47 = tpu.memref_slice %arg8[%dma_wait3A_45, %dma_wait3A_46] : memref<200x128xf32, #tpu.memory_space<vmem>> -> memref<96x128xf32, #tpu.memory_space<vmem>>
    %dma_wait3A_48 = arith.constant 104 : i32
    %dma_wait3A_49 = tpu.memref_slice %arg6[%dma_wait3A_48] : memref<6400xi32, #tpu.memory_space<vmem>> -> memref<96xi32, #tpu.memory_space<vmem>>
    %dma_wait3A_50 = arith.constant 0 : i32
    %dma_wait3A_51 = arith.constant 0 : i32
    %dma_wait3A_52 = tpu.memref_slice %arg3[%dma_wait3A_50, %dma_wait3A_51] : memref<100000x128xf32, #tpu.memory_space<hbm>> -> memref<100000x128xf32, #tpu.memory_space<hbm>>
    tpu.wait_indirect_dma semaphore(%arg11 : memref<!tpu.dma_semaphore, #tpu.memory_space<semaphore_mem>>) src(%dma_wait3A_52 : memref<100000x128xf32, #tpu.memory_space<hbm>>) dst(%dma_wait3A_47 : memref<96x128xf32, #tpu.memory_space<vmem>>)
    %scan3A = arith.constant 0 : i32
    %scan3A_53 = arith.constant 0 : i32
    %scan3A_54 = arith.constant 200 : i32
    %scan3A_55 = arith.addi %scan3A_53, %scan3A_54 : i32
    %scan3A_56 = arith.constant 1 : i32
    scf.for %scan3A_132 = %scan3A_53 to %scan3A_55 step %scan3A_56  : i32 {
      %get3A = arith.index_cast %scan3A_132 : i32 to index
      %get3A_133 = arith.constant 0 : index
      %get3A_134 = tpu.vector_load %arg8[%get3A, %get3A_133] {strides = array<i32>} : memref<200x128xf32, #tpu.memory_space<vmem>>, vector<1x16xf32>,
      %get3A_135 = vector.shape_cast %get3A_134 : vector<1x16xf32> to vector<16xf32>
      %mul3A_136 = arith.constant 11.3137083 : f32
      %mul3A_137 = vector.broadcast %mul3A_136 : f32 to vector<16xf32>
      %mul3A_138 = arith.mulf %get3A_135, %mul3A_137 : vector<16xf32>
      %get3A_139 = arith.index_cast %scan3A_132 : i32 to index
      %get3A_140 = arith.constant 0 : index
      %get3A_141 = tpu.vector_load %arg7[%get3A_139, %get3A_140] {strides = array<i32>} : memref<200x128xf32, #tpu.memory_space<vmem>>, vector<1x16xf32>,
      %get3A_142 = vector.shape_cast %get3A_141 : vector<1x16xf32> to vector<16xf32>
      %add3A_143 = arith.addf %mul3A_138, %get3A_142 : vector<16xf32>
      %swap3A = arith.index_cast %scan3A_132 : i32 to index
      %swap3A_144 = arith.constant 0 : index
      %swap3A_145 = tpu.vector_load %arg8[%swap3A, %swap3A_144] {strides = array<i32>} : memref<200x128xf32, #tpu.memory_space<vmem>>, vector<1x16xf32>,
      %swap3A_146 = vector.shape_cast %swap3A_145 : vector<1x16xf32> to vector<16xf32>
      %swap3A_147 = vector.shape_cast %add3A_143 : vector<16xf32> to vector<1x16xf32>
      tpu.vector_store %arg8[%swap3A, %swap3A_144], %swap3A_147 {strides = array<i32>} : memref<200x128xf32, #tpu.memory_space<vmem>>, vector<1x16xf32>,
      %get3A_148 = arith.index_cast %scan3A_132 : i32 to index
      %get3A_149 = arith.constant 16 : index
      %get3A_150 = tpu.vector_load %arg8[%get3A_148, %get3A_149] {strides = array<i32>} : memref<200x128xf32, #tpu.memory_space<vmem>>, vector<1x16xf32>,
      %get3A_151 = vector.shape_cast %get3A_150 : vector<1x16xf32> to vector<16xf32>
      %mul3A_152 = arith.constant 11.3137083 : f32
      %mul3A_153 = vector.broadcast %mul3A_152 : f32 to vector<16xf32>
      %mul3A_154 = arith.mulf %get3A_151, %mul3A_153 : vector<16xf32>
      %get3A_155 = arith.index_cast %scan3A_132 : i32 to index
      %get3A_156 = arith.constant 16 : index
      %get3A_157 = tpu.vector_load %arg7[%get3A_155, %get3A_156] {strides = array<i32>} : memref<200x128xf32, #tpu.memory_space<vmem>>, vector<1x16xf32>,
      %get3A_158 = vector.shape_cast %get3A_157 : vector<1x16xf32> to vector<16xf32>
      %add3A_159 = arith.addf %mul3A_154, %get3A_158 : vector<16xf32>
      %swap3A_160 = arith.index_cast %scan3A_132 : i32 to index
      %swap3A_161 = arith.constant 16 : index
      %swap3A_162 = tpu.vector_load %arg8[%swap3A_160, %swap3A_161] {strides = array<i32>} : memref<200x128xf32, #tpu.memory_space<vmem>>, vector<1x16xf32>,
      %swap3A_163 = vector.shape_cast %swap3A_162 : vector<1x16xf32> to vector<16xf32>
      %swap3A_164 = vector.shape_cast %add3A_159 : vector<16xf32> to vector<1x16xf32>
      tpu.vector_store %arg8[%swap3A_160, %swap3A_161], %swap3A_164 {strides = array<i32>} : memref<200x128xf32, #tpu.memory_space<vmem>>, vector<1x16xf32>,
      %get3A_165 = arith.index_cast %scan3A_132 : i32 to index
      %get3A_166 = arith.constant 32 : index
      %get3A_167 = tpu.vector_load %arg8[%get3A_165, %get3A_166] {strides = array<i32>} : memref<200x128xf32, #tpu.memory_space<vmem>>, vector<1x16xf32>,
      %get3A_168 = vector.shape_cast %get3A_167 : vector<1x16xf32> to vector<16xf32>
      %mul3A_169 = arith.constant 11.3137083 : f32
      %mul3A_170 = vector.broadcast %mul3A_169 : f32 to vector<16xf32>
      %mul3A_171 = arith.mulf %get3A_168, %mul3A_170 : vector<16xf32>
      %get3A_172 = arith.index_cast %scan3A_132 : i32 to index
      %get3A_173 = arith.constant 32 : index
      %get3A_174 = tpu.vector_load %arg7[%get3A_172, %get3A_173] {strides = array<i32>} : memref<200x128xf32, #tpu.memory_space<vmem>>, vector<1x16xf32>,
      %get3A_175 = vector.shape_cast %get3A_174 : vector<1x16xf32> to vector<16xf32>
      %add3A_176 = arith.addf %mul3A_171, %get3A_175 : vector<16xf32>
      %swap3A_177 = arith.index_cast %scan3A_132 : i32 to index
      %swap3A_178 = arith.constant 32 : index
      %swap3A_179 = tpu.vector_load %arg8[%swap3A_177, %swap3A_178] {strides = array<i32>} : memref<200x128xf32, #tpu.memory_space<vmem>>, vector<1x16xf32>,
      %swap3A_180 = vector.shape_cast %swap3A_179 : vector<1x16xf32> to vector<16xf32>
      %swap3A_181 = vector.shape_cast %add3A_176 : vector<16xf32> to vector<1x16xf32>
      tpu.vector_store %arg8[%swap3A_177, %swap3A_178], %swap3A_181 {strides = array<i32>} : memref<200x128xf32, #tpu.memory_space<vmem>>, vector<1x16xf32>,
      %get3A_182 = arith.index_cast %scan3A_132 : i32 to index
      %get3A_183 = arith.constant 48 : index
      %get3A_184 = tpu.vector_load %arg8[%get3A_182, %get3A_183] {strides = array<i32>} : memref<200x128xf32, #tpu.memory_space<vmem>>, vector<1x16xf32>,
      %get3A_185 = vector.shape_cast %get3A_184 : vector<1x16xf32> to vector<16xf32>
      %mul3A_186 = arith.constant 11.3137083 : f32
      %mul3A_187 = vector.broadcast %mul3A_186 : f32 to vector<16xf32>
      %mul3A_188 = arith.mulf %get3A_185, %mul3A_187 : vector<16xf32>
      %get3A_189 = arith.index_cast %scan3A_132 : i32 to index
      %get3A_190 = arith.constant 48 : index
      %get3A_191 = tpu.vector_load %arg7[%get3A_189, %get3A_190] {strides = array<i32>} : memref<200x128xf32, #tpu.memory_space<vmem>>, vector<1x16xf32>,
      %get3A_192 = vector.shape_cast %get3A_191 : vector<1x16xf32> to vector<16xf32>
      %add3A_193 = arith.addf %mul3A_188, %get3A_192 : vector<16xf32>
      %swap3A_194 = arith.index_cast %scan3A_132 : i32 to index
      %swap3A_195 = arith.constant 48 : index
      %swap3A_196 = tpu.vector_load %arg8[%swap3A_194, %swap3A_195] {strides = array<i32>} : memref<200x128xf32, #tpu.memory_space<vmem>>, vector<1x16xf32>,
      %swap3A_197 = vector.shape_cast %swap3A_196 : vector<1x16xf32> to vector<16xf32>
      %swap3A_198 = vector.shape_cast %add3A_193 : vector<16xf32> to vector<1x16xf32>
      tpu.vector_store %arg8[%swap3A_194, %swap3A_195], %swap3A_198 {strides = array<i32>} : memref<200x128xf32, #tpu.memory_space<vmem>>, vector<1x16xf32>,
      %get3A_199 = arith.index_cast %scan3A_132 : i32 to index
      %get3A_200 = arith.constant 64 : index
      %get3A_201 = tpu.vector_load %arg8[%get3A_199, %get3A_200] {strides = array<i32>} : memref<200x128xf32, #tpu.memory_space<vmem>>, vector<1x16xf32>,
      %get3A_202 = vector.shape_cast %get3A_201 : vector<1x16xf32> to vector<16xf32>
      %mul3A_203 = arith.constant 11.3137083 : f32
      %mul3A_204 = vector.broadcast %mul3A_203 : f32 to vector<16xf32>
      %mul3A_205 = arith.mulf %get3A_202, %mul3A_204 : vector<16xf32>
      %get3A_206 = arith.index_cast %scan3A_132 : i32 to index
      %get3A_207 = arith.constant 64 : index
      %get3A_208 = tpu.vector_load %arg7[%get3A_206, %get3A_207] {strides = array<i32>} : memref<200x128xf32, #tpu.memory_space<vmem>>, vector<1x16xf32>,
      %get3A_209 = vector.shape_cast %get3A_208 : vector<1x16xf32> to vector<16xf32>
      %add3A_210 = arith.addf %mul3A_205, %get3A_209 : vector<16xf32>
      %swap3A_211 = arith.index_cast %scan3A_132 : i32 to index
      %swap3A_212 = arith.constant 64 : index
      %swap3A_213 = tpu.vector_load %arg8[%swap3A_211, %swap3A_212] {strides = array<i32>} : memref<200x128xf32, #tpu.memory_space<vmem>>, vector<1x16xf32>,
      %swap3A_214 = vector.shape_cast %swap3A_213 : vector<1x16xf32> to vector<16xf32>
      %swap3A_215 = vector.shape_cast %add3A_210 : vector<16xf32> to vector<1x16xf32>
      tpu.vector_store %arg8[%swap3A_211, %swap3A_212], %swap3A_215 {strides = array<i32>} : memref<200x128xf32, #tpu.memory_space<vmem>>, vector<1x16xf32>,
      %get3A_216 = arith.index_cast %scan3A_132 : i32 to index
      %get3A_217 = arith.constant 80 : index
      %get3A_218 = tpu.vector_load %arg8[%get3A_216, %get3A_217] {strides = array<i32>} : memref<200x128xf32, #tpu.memory_space<vmem>>, vector<1x16xf32>,
      %get3A_219 = vector.shape_cast %get3A_218 : vector<1x16xf32> to vector<16xf32>
      %mul3A_220 = arith.constant 11.3137083 : f32
      %mul3A_221 = vector.broadcast %mul3A_220 : f32 to vector<16xf32>
      %mul3A_222 = arith.mulf %get3A_219, %mul3A_221 : vector<16xf32>
      %get3A_223 = arith.index_cast %scan3A_132 : i32 to index
      %get3A_224 = arith.constant 80 : index
      %get3A_225 = tpu.vector_load %arg7[%get3A_223, %get3A_224] {strides = array<i32>} : memref<200x128xf32, #tpu.memory_space<vmem>>, vector<1x16xf32>,
      %get3A_226 = vector.shape_cast %get3A_225 : vector<1x16xf32> to vector<16xf32>
      %add3A_227 = arith.addf %mul3A_222, %get3A_226 : vector<16xf32>
      %swap3A_228 = arith.index_cast %scan3A_132 : i32 to index
      %swap3A_229 = arith.constant 80 : index
      %swap3A_230 = tpu.vector_load %arg8[%swap3A_228, %swap3A_229] {strides = array<i32>} : memref<200x128xf32, #tpu.memory_space<vmem>>, vector<1x16xf32>,
      %swap3A_231 = vector.shape_cast %swap3A_230 : vector<1x16xf32> to vector<16xf32>
      %swap3A_232 = vector.shape_cast %add3A_227 : vector<16xf32> to vector<1x16xf32>
      tpu.vector_store %arg8[%swap3A_228, %swap3A_229], %swap3A_232 {strides = array<i32>} : memref<200x128xf32, #tpu.memory_space<vmem>>, vector<1x16xf32>,
      %get3A_233 = arith.index_cast %scan3A_132 : i32 to index
      %get3A_234 = arith.constant 96 : index
      %get3A_235 = tpu.vector_load %arg8[%get3A_233, %get3A_234] {strides = array<i32>} : memref<200x128xf32, #tpu.memory_space<vmem>>, vector<1x16xf32>,
      %get3A_236 = vector.shape_cast %get3A_235 : vector<1x16xf32> to vector<16xf32>
      %mul3A_237 = arith.constant 11.3137083 : f32
      %mul3A_238 = vector.broadcast %mul3A_237 : f32 to vector<16xf32>
      %mul3A_239 = arith.mulf %get3A_236, %mul3A_238 : vector<16xf32>
      %get3A_240 = arith.index_cast %scan3A_132 : i32 to index
      %get3A_241 = arith.constant 96 : index
      %get3A_242 = tpu.vector_load %arg7[%get3A_240, %get3A_241] {strides = array<i32>} : memref<200x128xf32, #tpu.memory_space<vmem>>, vector<1x16xf32>,
      %get3A_243 = vector.shape_cast %get3A_242 : vector<1x16xf32> to vector<16xf32>
      %add3A_244 = arith.addf %mul3A_239, %get3A_243 : vector<16xf32>
      %swap3A_245 = arith.index_cast %scan3A_132 : i32 to index
      %swap3A_246 = arith.constant 96 : index
      %swap3A_247 = tpu.vector_load %arg8[%swap3A_245, %swap3A_246] {strides = array<i32>} : memref<200x128xf32, #tpu.memory_space<vmem>>, vector<1x16xf32>,
      %swap3A_248 = vector.shape_cast %swap3A_247 : vector<1x16xf32> to vector<16xf32>
      %swap3A_249 = vector.shape_cast %add3A_244 : vector<16xf32> to vector<1x16xf32>
      tpu.vector_store %arg8[%swap3A_245, %swap3A_246], %swap3A_249 {strides = array<i32>} : memref<200x128xf32, #tpu.memory_space<vmem>>, vector<1x16xf32>,
      %get3A_250 = arith.index_cast %scan3A_132 : i32 to index
      %get3A_251 = arith.constant 112 : index
      %get3A_252 = tpu.vector_load %arg8[%get3A_250, %get3A_251] {strides = array<i32>} : memref<200x128xf32, #tpu.memory_space<vmem>>, vector<1x16xf32>,
      %get3A_253 = vector.shape_cast %get3A_252 : vector<1x16xf32> to vector<16xf32>
      %mul3A_254 = arith.constant 11.3137083 : f32
      %mul3A_255 = vector.broadcast %mul3A_254 : f32 to vector<16xf32>
      %mul3A_256 = arith.mulf %get3A_253, %mul3A_255 : vector<16xf32>
      %get3A_257 = arith.index_cast %scan3A_132 : i32 to index
      %get3A_258 = arith.constant 112 : index
      %get3A_259 = tpu.vector_load %arg7[%get3A_257, %get3A_258] {strides = array<i32>} : memref<200x128xf32, #tpu.memory_space<vmem>>, vector<1x16xf32>,
      %get3A_260 = vector.shape_cast %get3A_259 : vector<1x16xf32> to vector<16xf32>
      %add3A_261 = arith.addf %mul3A_256, %get3A_260 : vector<16xf32>
      %swap3A_262 = arith.index_cast %scan3A_132 : i32 to index
      %swap3A_263 = arith.constant 112 : index
      %swap3A_264 = tpu.vector_load %arg8[%swap3A_262, %swap3A_263] {strides = array<i32>} : memref<200x128xf32, #tpu.memory_space<vmem>>, vector<1x16xf32>,
      %swap3A_265 = vector.shape_cast %swap3A_264 : vector<1x16xf32> to vector<16xf32>
      %swap3A_266 = vector.shape_cast %add3A_261 : vector<16xf32> to vector<1x16xf32>
      tpu.vector_store %arg8[%swap3A_262, %swap3A_263], %swap3A_266 {strides = array<i32>} : memref<200x128xf32, #tpu.memory_space<vmem>>, vector<1x16xf32>,
    }
    %scan3A_57 = arith.constant 200 : i32
    %add3A_58 = arith.constant 0 : i32
    %add3A_59 = arith.addi %mul3A_2, %add3A_58 : i32
    %dma_start3A_60 = arith.constant 0 : i32
    %dma_start3A_61 = tpu.memref_slice %arg5[%add3A_59, %dma_start3A_60] : memref<204800x128xf32, #tpu.memory_space<hbm>> -> memref<200x128xf32, #tpu.memory_space<hbm>>
    %dma_start3A_62 = arith.constant 0 : i32
    %dma_start3A_63 = tpu.memref_slice %arg5[%add3A_59, %dma_start3A_62] : memref<204800x128xf32, #tpu.memory_space<hbm>> -> memref<200x128xf32, #tpu.memory_space<hbm>>
    tpu.enqueue_dma source(%arg8 : memref<200x128xf32, #tpu.memory_space<vmem>>) target(%dma_start3A_63 : memref<200x128xf32, #tpu.memory_space<hbm>>) target_semaphore(%arg14 : memref<!tpu.dma_semaphore, #tpu.memory_space<semaphore_mem>>)
    %dma_start3A_64 = arith.constant 0 : i32
    %dma_start3A_65 = arith.constant 0 : i32
    %dma_start3A_66 = tpu.memref_slice %arg10[%dma_start3A_64, %dma_start3A_65] : memref<200x128xf32, #tpu.memory_space<vmem>> -> memref<104x128xf32, #tpu.memory_space<vmem>>
    %dma_start3A_67 = arith.constant 400 : i32
    %dma_start3A_68 = tpu.memref_slice %arg6[%dma_start3A_67] : memref<6400xi32, #tpu.memory_space<vmem>> -> memref<104xi32, #tpu.memory_space<vmem>>
    %dma_start3A_69 = arith.constant 0 : i32
    %dma_start3A_70 = arith.constant 0 : i32
    %dma_start3A_71 = tpu.memref_slice %arg3[%dma_start3A_69, %dma_start3A_70] : memref<100000x128xf32, #tpu.memory_space<hbm>> -> memref<100000x128xf32, #tpu.memory_space<hbm>>
    tpu.enqueue_indirect_dma source(%dma_start3A_71 : memref<100000x128xf32, #tpu.memory_space<hbm>>) target(%dma_start3A_66 : memref<104x128xf32, #tpu.memory_space<vmem>>) offsets(%dma_start3A_68 : memref<104xi32, #tpu.memory_space<vmem>>) semaphore(%arg13 : memref<!tpu.dma_semaphore, #tpu.memory_space<semaphore_mem>>)
    %dma_start3A_72 = arith.constant 104 : i32
    %dma_start3A_73 = arith.constant 0 : i32
    %dma_start3A_74 = tpu.memref_slice %arg10[%dma_start3A_72, %dma_start3A_73] : memref<200x128xf32, #tpu.memory_space<vmem>> -> memref<96x128xf32, #tpu.memory_space<vmem>>
    %dma_start3A_75 = arith.constant 504 : i32
    %dma_start3A_76 = tpu.memref_slice %arg6[%dma_start3A_75] : memref<6400xi32, #tpu.memory_space<vmem>> -> memref<96xi32, #tpu.memory_space<vmem>>
    %dma_start3A_77 = arith.constant 0 : i32
    %dma_start3A_78 = arith.constant 0 : i32
    %dma_start3A_79 = tpu.memref_slice %arg3[%dma_start3A_77, %dma_start3A_78] : memref<100000x128xf32, #tpu.memory_space<hbm>> -> memref<100000x128xf32, #tpu.memory_space<hbm>>
    tpu.enqueue_indirect_dma source(%dma_start3A_79 : memref<100000x128xf32, #tpu.memory_space<hbm>>) target(%dma_start3A_74 : memref<96x128xf32, #tpu.memory_space<vmem>>) offsets(%dma_start3A_76 : memref<96xi32, #tpu.memory_space<vmem>>) semaphore(%arg13 : memref<!tpu.dma_semaphore, #tpu.memory_space<semaphore_mem>>)
    %scan3A_80 = arith.constant 0 : i32
    %scan3A_81 = arith.constant 0 : i32
    %scan3A_82 = arith.constant 10 : i32
    %scan3A_83 = arith.addi %scan3A_81, %scan3A_82 : i32
    %scan3A_84 = arith.constant 1 : i32
    scf.for %scan3A_132 = %scan3A_81 to %scan3A_83 step %scan3A_84  : i32 {
      %mul3A_133 = arith.constant 3 : i32
      %mul3A_134 = arith.muli %scan3A_132, %mul3A_133 : i32
      %add3A_135 = arith.constant 1 : i32
      %add3A_136 = arith.addi %add3A_135, %mul3A_134 : i32
      %add3A_137 = arith.constant 0 : i32
      %add3A_138 = arith.addi %add3A_136, %add3A_137 : i32
      %mul3A_139 = arith.constant 200 : i32
      %mul3A_140 = arith.muli %add3A_138, %mul3A_139 : i32
      %add3A_141 = arith.constant 104 : i32
      %add3A_142 = arith.addi %mul3A_140, %add3A_141 : i32
      %dma_wait3A_143 = arith.constant 0 : i32
      %dma_wait3A_144 = arith.constant 0 : i32
      %dma_wait3A_145 = tpu.memref_slice %arg9[%dma_wait3A_143, %dma_wait3A_144] : memref<200x128xf32, #tpu.memory_space<vmem>> -> memref<104x128xf32, #tpu.memory_space<vmem>>
      %dma_wait3A_146 = tpu.memref_slice %arg6[%mul3A_140] : memref<6400xi32, #tpu.memory_space<vmem>> -> memref<104xi32, #tpu.memory_space<vmem>>
      %dma_wait3A_147 = arith.constant 0 : i32
      %dma_wait3A_148 = arith.constant 0 : i32
      %dma_wait3A_149 = tpu.memref_slice %arg3[%dma_wait3A_147, %dma_wait3A_148] : memref<100000x128xf32, #tpu.memory_space<hbm>> -> memref<100000x128xf32, #tpu.memory_space<hbm>>
      tpu.wait_indirect_dma semaphore(%arg12 : memref<!tpu.dma_semaphore, #tpu.memory_space<semaphore_mem>>) src(%dma_wait3A_149 : memref<100000x128xf32, #tpu.memory_space<hbm>>) dst(%dma_wait3A_145 : memref<104x128xf32, #tpu.memory_space<vmem>>)
      %dma_wait3A_150 = arith.constant 104 : i32
      %dma_wait3A_151 = arith.constant 0 : i32
      %dma_wait3A_152 = tpu.memref_slice %arg9[%dma_wait3A_150, %dma_wait3A_151] : memref<200x128xf32, #tpu.memory_space<vmem>> -> memref<96x128xf32, #tpu.memory_space<vmem>>
      %dma_wait3A_153 = tpu.memref_slice %arg6[%add3A_142] : memref<6400xi32, #tpu.memory_space<vmem>> -> memref<96xi32, #tpu.memory_space<vmem>>
      %dma_wait3A_154 = arith.constant 0 : i32
      %dma_wait3A_155 = arith.constant 0 : i32
      %dma_wait3A_156 = tpu.memref_slice %arg3[%dma_wait3A_154, %dma_wait3A_155] : memref<100000x128xf32, #tpu.memory_space<hbm>> -> memref<100000x128xf32, #tpu.memory_space<hbm>>
      tpu.wait_indirect_dma semaphore(%arg12 : memref<!tpu.dma_semaphore, #tpu.memory_space<semaphore_mem>>) src(%dma_wait3A_156 : memref<100000x128xf32, #tpu.memory_space<hbm>>) dst(%dma_wait3A_152 : memref<96x128xf32, #tpu.memory_space<vmem>>)
      %scan3A_157 = arith.constant 0 : i32
      %scan3A_158 = arith.constant 0 : i32
      %scan3A_159 = arith.constant 200 : i32
      %scan3A_160 = arith.addi %scan3A_158, %scan3A_159 : i32
      %scan3A_161 = arith.constant 1 : i32
      scf.for %scan3A_254 = %scan3A_158 to %scan3A_160 step %scan3A_161  : i32 {
        %get3A = arith.index_cast %scan3A_254 : i32 to index
        %get3A_255 = arith.constant 0 : index
        %get3A_256 = tpu.vector_load %arg9[%get3A, %get3A_255] {strides = array<i32>} : memref<200x128xf32, #tpu.memory_space<vmem>>, vector<1x16xf32>,
        %get3A_257 = vector.shape_cast %get3A_256 : vector<1x16xf32> to vector<16xf32>
        %mul3A_258 = arith.constant 11.3137083 : f32
        %mul3A_259 = vector.broadcast %mul3A_258 : f32 to vector<16xf32>
        %mul3A_260 = arith.mulf %get3A_257, %mul3A_259 : vector<16xf32>
        %get3A_261 = arith.index_cast %scan3A_254 : i32 to index
        %get3A_262 = arith.constant 0 : index
        %get3A_263 = tpu.vector_load %arg7[%get3A_261, %get3A_262] {strides = array<i32>} : memref<200x128xf32, #tpu.memory_space<vmem>>, vector<1x16xf32>,
        %get3A_264 = vector.shape_cast %get3A_263 : vector<1x16xf32> to vector<16xf32>
        %add3A_265 = arith.addf %mul3A_260, %get3A_264 : vector<16xf32>
        %swap3A = arith.index_cast %scan3A_254 : i32 to index
        %swap3A_266 = arith.constant 0 : index
        %swap3A_267 = tpu.vector_load %arg9[%swap3A, %swap3A_266] {strides = array<i32>} : memref<200x128xf32, #tpu.memory_space<vmem>>, vector<1x16xf32>,
        %swap3A_268 = vector.shape_cast %swap3A_267 : vector<1x16xf32> to vector<16xf32>
        %swap3A_269 = vector.shape_cast %add3A_265 : vector<16xf32> to vector<1x16xf32>
        tpu.vector_store %arg9[%swap3A, %swap3A_266], %swap3A_269 {strides = array<i32>} : memref<200x128xf32, #tpu.memory_space<vmem>>, vector<1x16xf32>,
        %get3A_270 = arith.index_cast %scan3A_254 : i32 to index
        %get3A_271 = arith.constant 16 : index
        %get3A_272 = tpu.vector_load %arg9[%get3A_270, %get3A_271] {strides = array<i32>} : memref<200x128xf32, #tpu.memory_space<vmem>>, vector<1x16xf32>,
        %get3A_273 = vector.shape_cast %get3A_272 : vector<1x16xf32> to vector<16xf32>
        %mul3A_274 = arith.constant 11.3137083 : f32
        %mul3A_275 = vector.broadcast %mul3A_274 : f32 to vector<16xf32>
        %mul3A_276 = arith.mulf %get3A_273, %mul3A_275 : vector<16xf32>
        %get3A_277 = arith.index_cast %scan3A_254 : i32 to index
        %get3A_278 = arith.constant 16 : index
        %get3A_279 = tpu.vector_load %arg7[%get3A_277, %get3A_278] {strides = array<i32>} : memref<200x128xf32, #tpu.memory_space<vmem>>, vector<1x16xf32>,
        %get3A_280 = vector.shape_cast %get3A_279 : vector<1x16xf32> to vector<16xf32>
        %add3A_281 = arith.addf %mul3A_276, %get3A_280 : vector<16xf32>
        %swap3A_282 = arith.index_cast %scan3A_254 : i32 to index
        %swap3A_283 = arith.constant 16 : index
        %swap3A_284 = tpu.vector_load %arg9[%swap3A_282, %swap3A_283] {strides = array<i32>} : memref<200x128xf32, #tpu.memory_space<vmem>>, vector<1x16xf32>,
        %swap3A_285 = vector.shape_cast %swap3A_284 : vector<1x16xf32> to vector<16xf32>
        %swap3A_286 = vector.shape_cast %add3A_281 : vector<16xf32> to vector<1x16xf32>
        tpu.vector_store %arg9[%swap3A_282, %swap3A_283], %swap3A_286 {strides = array<i32>} : memref<200x128xf32, #tpu.memory_space<vmem>>, vector<1x16xf32>,
        %get3A_287 = arith.index_cast %scan3A_254 : i32 to index
        %get3A_288 = arith.constant 32 : index
        %get3A_289 = tpu.vector_load %arg9[%get3A_287, %get3A_288] {strides = array<i32>} : memref<200x128xf32, #tpu.memory_space<vmem>>, vector<1x16xf32>,
        %get3A_290 = vector.shape_cast %get3A_289 : vector<1x16xf32> to vector<16xf32>
        %mul3A_291 = arith.constant 11.3137083 : f32
        %mul3A_292 = vector.broadcast %mul3A_291 : f32 to vector<16xf32>
        %mul3A_293 = arith.mulf %get3A_290, %mul3A_292 : vector<16xf32>
        %get3A_294 = arith.index_cast %scan3A_254 : i32 to index
        %get3A_295 = arith.constant 32 : index
        %get3A_296 = tpu.vector_load %arg7[%get3A_294, %get3A_295] {strides = array<i32>} : memref<200x128xf32, #tpu.memory_space<vmem>>, vector<1x16xf32>,
        %get3A_297 = vector.shape_cast %get3A_296 : vector<1x16xf32> to vector<16xf32>
        %add3A_298 = arith.addf %mul3A_293, %get3A_297 : vector<16xf32>
        %swap3A_299 = arith.index_cast %scan3A_254 : i32 to index
        %swap3A_300 = arith.constant 32 : index
        %swap3A_301 = tpu.vector_load %arg9[%swap3A_299, %swap3A_300] {strides = array<i32>} : memref<200x128xf32, #tpu.memory_space<vmem>>, vector<1x16xf32>,
        %swap3A_302 = vector.shape_cast %swap3A_301 : vector<1x16xf32> to vector<16xf32>
        %swap3A_303 = vector.shape_cast %add3A_298 : vector<16xf32> to vector<1x16xf32>
        tpu.vector_store %arg9[%swap3A_299, %swap3A_300], %swap3A_303 {strides = array<i32>} : memref<200x128xf32, #tpu.memory_space<vmem>>, vector<1x16xf32>,
        %get3A_304 = arith.index_cast %scan3A_254 : i32 to index
        %get3A_305 = arith.constant 48 : index
        %get3A_306 = tpu.vector_load %arg9[%get3A_304, %get3A_305] {strides = array<i32>} : memref<200x128xf32, #tpu.memory_space<vmem>>, vector<1x16xf32>,
        %get3A_307 = vector.shape_cast %get3A_306 : vector<1x16xf32> to vector<16xf32>
        %mul3A_308 = arith.constant 11.3137083 : f32
        %mul3A_309 = vector.broadcast %mul3A_308 : f32 to vector<16xf32>
        %mul3A_310 = arith.mulf %get3A_307, %mul3A_309 : vector<16xf32>
        %get3A_311 = arith.index_cast %scan3A_254 : i32 to index
        %get3A_312 = arith.constant 48 : index
        %get3A_313 = tpu.vector_load %arg7[%get3A_311, %get3A_312] {strides = array<i32>} : memref<200x128xf32, #tpu.memory_space<vmem>>, vector<1x16xf32>,
        %get3A_314 = vector.shape_cast %get3A_313 : vector<1x16xf32> to vector<16xf32>
        %add3A_315 = arith.addf %mul3A_310, %get3A_314 : vector<16xf32>
        %swap3A_316 = arith.index_cast %scan3A_254 : i32 to index
        %swap3A_317 = arith.constant 48 : index
        %swap3A_318 = tpu.vector_load %arg9[%swap3A_316, %swap3A_317] {strides = array<i32>} : memref<200x128xf32, #tpu.memory_space<vmem>>, vector<1x16xf32>,
        %swap3A_319 = vector.shape_cast %swap3A_318 : vector<1x16xf32> to vector<16xf32>
        %swap3A_320 = vector.shape_cast %add3A_315 : vector<16xf32> to vector<1x16xf32>
        tpu.vector_store %arg9[%swap3A_316, %swap3A_317], %swap3A_320 {strides = array<i32>} : memref<200x128xf32, #tpu.memory_space<vmem>>, vector<1x16xf32>,
        %get3A_321 = arith.index_cast %scan3A_254 : i32 to index
        %get3A_322 = arith.constant 64 : index
        %get3A_323 = tpu.vector_load %arg9[%get3A_321, %get3A_322] {strides = array<i32>} : memref<200x128xf32, #tpu.memory_space<vmem>>, vector<1x16xf32>,
        %get3A_324 = vector.shape_cast %get3A_323 : vector<1x16xf32> to vector<16xf32>
        %mul3A_325 = arith.constant 11.3137083 : f32
        %mul3A_326 = vector.broadcast %mul3A_325 : f32 to vector<16xf32>
        %mul3A_327 = arith.mulf %get3A_324, %mul3A_326 : vector<16xf32>
        %get3A_328 = arith.index_cast %scan3A_254 : i32 to index
        %get3A_329 = arith.constant 64 : index
        %get3A_330 = tpu.vector_load %arg7[%get3A_328, %get3A_329] {strides = array<i32>} : memref<200x128xf32, #tpu.memory_space<vmem>>, vector<1x16xf32>,
        %get3A_331 = vector.shape_cast %get3A_330 : vector<1x16xf32> to vector<16xf32>
        %add3A_332 = arith.addf %mul3A_327, %get3A_331 : vector<16xf32>
        %swap3A_333 = arith.index_cast %scan3A_254 : i32 to index
        %swap3A_334 = arith.constant 64 : index
        %swap3A_335 = tpu.vector_load %arg9[%swap3A_333, %swap3A_334] {strides = array<i32>} : memref<200x128xf32, #tpu.memory_space<vmem>>, vector<1x16xf32>,
        %swap3A_336 = vector.shape_cast %swap3A_335 : vector<1x16xf32> to vector<16xf32>
        %swap3A_337 = vector.shape_cast %add3A_332 : vector<16xf32> to vector<1x16xf32>
        tpu.vector_store %arg9[%swap3A_333, %swap3A_334], %swap3A_337 {strides = array<i32>} : memref<200x128xf32, #tpu.memory_space<vmem>>, vector<1x16xf32>,
        %get3A_338 = arith.index_cast %scan3A_254 : i32 to index
        %get3A_339 = arith.constant 80 : index
        %get3A_340 = tpu.vector_load %arg9[%get3A_338, %get3A_339] {strides = array<i32>} : memref<200x128xf32, #tpu.memory_space<vmem>>, vector<1x16xf32>,
        %get3A_341 = vector.shape_cast %get3A_340 : vector<1x16xf32> to vector<16xf32>
        %mul3A_342 = arith.constant 11.3137083 : f32
        %mul3A_343 = vector.broadcast %mul3A_342 : f32 to vector<16xf32>
        %mul3A_344 = arith.mulf %get3A_341, %mul3A_343 : vector<16xf32>
        %get3A_345 = arith.index_cast %scan3A_254 : i32 to index
        %get3A_346 = arith.constant 80 : index
        %get3A_347 = tpu.vector_load %arg7[%get3A_345, %get3A_346] {strides = array<i32>} : memref<200x128xf32, #tpu.memory_space<vmem>>, vector<1x16xf32>,
        %get3A_348 = vector.shape_cast %get3A_347 : vector<1x16xf32> to vector<16xf32>
        %add3A_349 = arith.addf %mul3A_344, %get3A_348 : vector<16xf32>
        %swap3A_350 = arith.index_cast %scan3A_254 : i32 to index
        %swap3A_351 = arith.constant 80 : index
        %swap3A_352 = tpu.vector_load %arg9[%swap3A_350, %swap3A_351] {strides = array<i32>} : memref<200x128xf32, #tpu.memory_space<vmem>>, vector<1x16xf32>,
        %swap3A_353 = vector.shape_cast %swap3A_352 : vector<1x16xf32> to vector<16xf32>
        %swap3A_354 = vector.shape_cast %add3A_349 : vector<16xf32> to vector<1x16xf32>
        tpu.vector_store %arg9[%swap3A_350, %swap3A_351], %swap3A_354 {strides = array<i32>} : memref<200x128xf32, #tpu.memory_space<vmem>>, vector<1x16xf32>,
        %get3A_355 = arith.index_cast %scan3A_254 : i32 to index
        %get3A_356 = arith.constant 96 : index
        %get3A_357 = tpu.vector_load %arg9[%get3A_355, %get3A_356] {strides = array<i32>} : memref<200x128xf32, #tpu.memory_space<vmem>>, vector<1x16xf32>,
        %get3A_358 = vector.shape_cast %get3A_357 : vector<1x16xf32> to vector<16xf32>
        %mul3A_359 = arith.constant 11.3137083 : f32
        %mul3A_360 = vector.broadcast %mul3A_359 : f32 to vector<16xf32>
        %mul3A_361 = arith.mulf %get3A_358, %mul3A_360 : vector<16xf32>
        %get3A_362 = arith.index_cast %scan3A_254 : i32 to index
        %get3A_363 = arith.constant 96 : index
        %get3A_364 = tpu.vector_load %arg7[%get3A_362, %get3A_363] {strides = array<i32>} : memref<200x128xf32, #tpu.memory_space<vmem>>, vector<1x16xf32>,
        %get3A_365 = vector.shape_cast %get3A_364 : vector<1x16xf32> to vector<16xf32>
        %add3A_366 = arith.addf %mul3A_361, %get3A_365 : vector<16xf32>
        %swap3A_367 = arith.index_cast %scan3A_254 : i32 to index
        %swap3A_368 = arith.constant 96 : index
        %swap3A_369 = tpu.vector_load %arg9[%swap3A_367, %swap3A_368] {strides = array<i32>} : memref<200x128xf32, #tpu.memory_space<vmem>>, vector<1x16xf32>,
        %swap3A_370 = vector.shape_cast %swap3A_369 : vector<1x16xf32> to vector<16xf32>
        %swap3A_371 = vector.shape_cast %add3A_366 : vector<16xf32> to vector<1x16xf32>
        tpu.vector_store %arg9[%swap3A_367, %swap3A_368], %swap3A_371 {strides = array<i32>} : memref<200x128xf32, #tpu.memory_space<vmem>>, vector<1x16xf32>,
        %get3A_372 = arith.index_cast %scan3A_254 : i32 to index
        %get3A_373 = arith.constant 112 : index
        %get3A_374 = tpu.vector_load %arg9[%get3A_372, %get3A_373] {strides = array<i32>} : memref<200x128xf32, #tpu.memory_space<vmem>>, vector<1x16xf32>,
        %get3A_375 = vector.shape_cast %get3A_374 : vector<1x16xf32> to vector<16xf32>
        %mul3A_376 = arith.constant 11.3137083 : f32
        %mul3A_377 = vector.broadcast %mul3A_376 : f32 to vector<16xf32>
        %mul3A_378 = arith.mulf %get3A_375, %mul3A_377 : vector<16xf32>
        %get3A_379 = arith.index_cast %scan3A_254 : i32 to index
        %get3A_380 = arith.constant 112 : index
        %get3A_381 = tpu.vector_load %arg7[%get3A_379, %get3A_380] {strides = array<i32>} : memref<200x128xf32, #tpu.memory_space<vmem>>, vector<1x16xf32>,
        %get3A_382 = vector.shape_cast %get3A_381 : vector<1x16xf32> to vector<16xf32>
        %add3A_383 = arith.addf %mul3A_378, %get3A_382 : vector<16xf32>
        %swap3A_384 = arith.index_cast %scan3A_254 : i32 to index
        %swap3A_385 = arith.constant 112 : index
        %swap3A_386 = tpu.vector_load %arg9[%swap3A_384, %swap3A_385] {strides = array<i32>} : memref<200x128xf32, #tpu.memory_space<vmem>>, vector<1x16xf32>,
        %swap3A_387 = vector.shape_cast %swap3A_386 : vector<1x16xf32> to vector<16xf32>
        %swap3A_388 = vector.shape_cast %add3A_383 : vector<16xf32> to vector<1x16xf32>
        tpu.vector_store %arg9[%swap3A_384, %swap3A_385], %swap3A_388 {strides = array<i32>} : memref<200x128xf32, #tpu.memory_space<vmem>>, vector<1x16xf32>,
      }
      %scan3A_162 = arith.constant 200 : i32
      %mul3A_163 = arith.constant 200 : i32
      %mul3A_164 = arith.muli %add3A_138, %mul3A_163 : i32
      %add3A_165 = arith.addi %mul3A_2, %mul3A_164 : i32
      %dma_start3A_166 = arith.constant 0 : i32
      %dma_start3A_167 = tpu.memref_slice %arg5[%add3A_165, %dma_start3A_166] : memref<204800x128xf32, #tpu.memory_space<hbm>> -> memref<200x128xf32, #tpu.memory_space<hbm>>
      %dma_start3A_168 = arith.constant 0 : i32
      %dma_start3A_169 = tpu.memref_slice %arg5[%add3A_165, %dma_start3A_168] : memref<204800x128xf32, #tpu.memory_space<hbm>> -> memref<200x128xf32, #tpu.memory_space<hbm>>
      tpu.enqueue_dma source(%arg9 : memref<200x128xf32, #tpu.memory_space<vmem>>) target(%dma_start3A_169 : memref<200x128xf32, #tpu.memory_space<hbm>>) target_semaphore(%arg15 : memref<!tpu.dma_semaphore, #tpu.memory_space<semaphore_mem>>)
      %add3A_170 = arith.constant 2 : i32
      %add3A_171 = arith.addi %add3A_138, %add3A_170 : i32
      %le3A = arith.constant 31 : i32
      %le3A_172 = arith.cmpi sle, %add3A_171, %le3A : i32
      %convert_element_type3A = arith.extui %le3A_172 : i1 to i32
      %cond3A = arith.constant 0 : i32
      %cond3A_173 = arith.cmpi ne, %convert_element_type3A, %cond3A : i32
      scf.if %cond3A_173 {
        %dma_wait3A_254 = arith.constant 0 : i32
        %dma_wait3A_255 = arith.constant 0 : i32
        %dma_wait3A_256 = tpu.memref_slice %arg5[%dma_wait3A_254, %dma_wait3A_255] : memref<204800x128xf32, #tpu.memory_space<hbm>> -> memref<200x128xf32, #tpu.memory_space<hbm>>
        %dma_wait3A_257 = arith.constant 0 : i32
        %dma_wait3A_258 = arith.constant 0 : i32
        %dma_wait3A_259 = tpu.memref_slice %arg5[%dma_wait3A_257, %dma_wait3A_258] : memref<204800x128xf32, #tpu.memory_space<hbm>> -> memref<200x128xf32, #tpu.memory_space<hbm>>
        tpu.wait_dma2 semaphore(%arg14 : memref<!tpu.dma_semaphore, #tpu.memory_space<semaphore_mem>>) src(%arg8 : memref<200x128xf32, #tpu.memory_space<vmem>>) dst(%dma_wait3A_259 : memref<200x128xf32, #tpu.memory_space<hbm>>)
        %add3A_260 = arith.constant 2 : i32
        %add3A_261 = arith.addi %add3A_138, %add3A_260 : i32
        %mul3A_262 = arith.constant 200 : i32
        %mul3A_263 = arith.muli %add3A_261, %mul3A_262 : i32
        %add3A_264 = arith.constant 104 : i32
        %add3A_265 = arith.addi %mul3A_263, %add3A_264 : i32
        %dma_start3A_266 = arith.constant 0 : i32
        %dma_start3A_267 = arith.constant 0 : i32
        %dma_start3A_268 = tpu.memref_slice %arg8[%dma_start3A_266, %dma_start3A_267] : memref<200x128xf32, #tpu.memory_space<vmem>> -> memref<104x128xf32, #tpu.memory_space<vmem>>
        %dma_start3A_269 = tpu.memref_slice %arg6[%mul3A_263] : memref<6400xi32, #tpu.memory_space<vmem>> -> memref<104xi32, #tpu.memory_space<vmem>>
        %dma_start3A_270 = arith.constant 0 : i32
        %dma_start3A_271 = arith.constant 0 : i32
        %dma_start3A_272 = tpu.memref_slice %arg3[%dma_start3A_270, %dma_start3A_271] : memref<100000x128xf32, #tpu.memory_space<hbm>> -> memref<100000x128xf32, #tpu.memory_space<hbm>>
        tpu.enqueue_indirect_dma source(%dma_start3A_272 : memref<100000x128xf32, #tpu.memory_space<hbm>>) target(%dma_start3A_268 : memref<104x128xf32, #tpu.memory_space<vmem>>) offsets(%dma_start3A_269 : memref<104xi32, #tpu.memory_space<vmem>>) semaphore(%arg11 : memref<!tpu.dma_semaphore, #tpu.memory_space<semaphore_mem>>)
        %dma_start3A_273 = arith.constant 104 : i32
        %dma_start3A_274 = arith.constant 0 : i32
        %dma_start3A_275 = tpu.memref_slice %arg8[%dma_start3A_273, %dma_start3A_274] : memref<200x128xf32, #tpu.memory_space<vmem>> -> memref<96x128xf32, #tpu.memory_space<vmem>>
        %dma_start3A_276 = tpu.memref_slice %arg6[%add3A_265] : memref<6400xi32, #tpu.memory_space<vmem>> -> memref<96xi32, #tpu.memory_space<vmem>>
        %dma_start3A_277 = arith.constant 0 : i32
        %dma_start3A_278 = arith.constant 0 : i32
        %dma_start3A_279 = tpu.memref_slice %arg3[%dma_start3A_277, %dma_start3A_278] : memref<100000x128xf32, #tpu.memory_space<hbm>> -> memref<100000x128xf32, #tpu.memory_space<hbm>>
        tpu.enqueue_indirect_dma source(%dma_start3A_279 : memref<100000x128xf32, #tpu.memory_space<hbm>>) target(%dma_start3A_275 : memref<96x128xf32, #tpu.memory_space<vmem>>) offsets(%dma_start3A_276 : memref<96xi32, #tpu.memory_space<vmem>>) semaphore(%arg11 : memref<!tpu.dma_semaphore, #tpu.memory_space<semaphore_mem>>)
      } else {
      }
      %add3A_174 = arith.constant 1 : i32
      %add3A_175 = arith.addi %add3A_136, %add3A_174 : i32
      %mul3A_176 = arith.constant 200 : i32
      %mul3A_177 = arith.muli %add3A_175, %mul3A_176 : i32
      %add3A_178 = arith.constant 104 : i32
      %add3A_179 = arith.addi %mul3A_177, %add3A_178 : i32
      %dma_wait3A_180 = arith.constant 0 : i32
      %dma_wait3A_181 = arith.constant 0 : i32
      %dma_wait3A_182 = tpu.memref_slice %arg10[%dma_wait3A_180, %dma_wait3A_181] : memref<200x128xf32, #tpu.memory_space<vmem>> -> memref<104x128xf32, #tpu.memory_space<vmem>>
      %dma_wait3A_183 = tpu.memref_slice %arg6[%mul3A_177] : memref<6400xi32, #tpu.memory_space<vmem>> -> memref<104xi32, #tpu.memory_space<vmem>>
      %dma_wait3A_184 = arith.constant 0 : i32
      %dma_wait3A_185 = arith.constant 0 : i32
      %dma_wait3A_186 = tpu.memref_slice %arg3[%dma_wait3A_184, %dma_wait3A_185] : memref<100000x128xf32, #tpu.memory_space<hbm>> -> memref<100000x128xf32, #tpu.memory_space<hbm>>
      tpu.wait_indirect_dma semaphore(%arg13 : memref<!tpu.dma_semaphore, #tpu.memory_space<semaphore_mem>>) src(%dma_wait3A_186 : memref<100000x128xf32, #tpu.memory_space<hbm>>) dst(%dma_wait3A_182 : memref<104x128xf32, #tpu.memory_space<vmem>>)
      %dma_wait3A_187 = arith.constant 104 : i32
      %dma_wait3A_188 = arith.constant 0 : i32
      %dma_wait3A_189 = tpu.memref_slice %arg10[%dma_wait3A_187, %dma_wait3A_188] : memref<200x128xf32, #tpu.memory_space<vmem>> -> memref<96x128xf32, #tpu.memory_space<vmem>>
      %dma_wait3A_190 = tpu.memref_slice %arg6[%add3A_179] : memref<6400xi32, #tpu.memory_space<vmem>> -> memref<96xi32, #tpu.memory_space<vmem>>
      %dma_wait3A_191 = arith.constant 0 : i32
      %dma_wait3A_192 = arith.constant 0 : i32
      %dma_wait3A_193 = tpu.memref_slice %arg3[%dma_wait3A_191, %dma_wait3A_192] : memref<100000x128xf32, #tpu.memory_space<hbm>> -> memref<100000x128xf32, #tpu.memory_space<hbm>>
      tpu.wait_indirect_dma semaphore(%arg13 : memref<!tpu.dma_semaphore, #tpu.memory_space<semaphore_mem>>) src(%dma_wait3A_193 : memref<100000x128xf32, #tpu.memory_space<hbm>>) dst(%dma_wait3A_189 : memref<96x128xf32, #tpu.memory_space<vmem>>)
      %scan3A_194 = arith.constant 0 : i32
      %scan3A_195 = arith.constant 0 : i32
      %scan3A_196 = arith.constant 200 : i32
      %scan3A_197 = arith.addi %scan3A_195, %scan3A_196 : i32
      %scan3A_198 = arith.constant 1 : i32
      scf.for %scan3A_254 = %scan3A_195 to %scan3A_197 step %scan3A_198  : i32 {
        %get3A = arith.index_cast %scan3A_254 : i32 to index
        %get3A_255 = arith.constant 0 : index
        %get3A_256 = tpu.vector_load %arg10[%get3A, %get3A_255] {strides = array<i32>} : memref<200x128xf32, #tpu.memory_space<vmem>>, vector<1x16xf32>,
        %get3A_257 = vector.shape_cast %get3A_256 : vector<1x16xf32> to vector<16xf32>
        %mul3A_258 = arith.constant 11.3137083 : f32
        %mul3A_259 = vector.broadcast %mul3A_258 : f32 to vector<16xf32>
        %mul3A_260 = arith.mulf %get3A_257, %mul3A_259 : vector<16xf32>
        %get3A_261 = arith.index_cast %scan3A_254 : i32 to index
        %get3A_262 = arith.constant 0 : index
        %get3A_263 = tpu.vector_load %arg7[%get3A_261, %get3A_262] {strides = array<i32>} : memref<200x128xf32, #tpu.memory_space<vmem>>, vector<1x16xf32>,
        %get3A_264 = vector.shape_cast %get3A_263 : vector<1x16xf32> to vector<16xf32>
        %add3A_265 = arith.addf %mul3A_260, %get3A_264 : vector<16xf32>
        %swap3A = arith.index_cast %scan3A_254 : i32 to index
        %swap3A_266 = arith.constant 0 : index
        %swap3A_267 = tpu.vector_load %arg10[%swap3A, %swap3A_266] {strides = array<i32>} : memref<200x128xf32, #tpu.memory_space<vmem>>, vector<1x16xf32>,
        %swap3A_268 = vector.shape_cast %swap3A_267 : vector<1x16xf32> to vector<16xf32>
        %swap3A_269 = vector.shape_cast %add3A_265 : vector<16xf32> to vector<1x16xf32>
        tpu.vector_store %arg10[%swap3A, %swap3A_266], %swap3A_269 {strides = array<i32>} : memref<200x128xf32, #tpu.memory_space<vmem>>, vector<1x16xf32>,
        %get3A_270 = arith.index_cast %scan3A_254 : i32 to index
        %get3A_271 = arith.constant 16 : index
        %get3A_272 = tpu.vector_load %arg10[%get3A_270, %get3A_271] {strides = array<i32>} : memref<200x128xf32, #tpu.memory_space<vmem>>, vector<1x16xf32>,
        %get3A_273 = vector.shape_cast %get3A_272 : vector<1x16xf32> to vector<16xf32>
        %mul3A_274 = arith.constant 11.3137083 : f32
        %mul3A_275 = vector.broadcast %mul3A_274 : f32 to vector<16xf32>
        %mul3A_276 = arith.mulf %get3A_273, %mul3A_275 : vector<16xf32>
        %get3A_277 = arith.index_cast %scan3A_254 : i32 to index
        %get3A_278 = arith.constant 16 : index
        %get3A_279 = tpu.vector_load %arg7[%get3A_277, %get3A_278] {strides = array<i32>} : memref<200x128xf32, #tpu.memory_space<vmem>>, vector<1x16xf32>,
        %get3A_280 = vector.shape_cast %get3A_279 : vector<1x16xf32> to vector<16xf32>
        %add3A_281 = arith.addf %mul3A_276, %get3A_280 : vector<16xf32>
        %swap3A_282 = arith.index_cast %scan3A_254 : i32 to index
        %swap3A_283 = arith.constant 16 : index
        %swap3A_284 = tpu.vector_load %arg10[%swap3A_282, %swap3A_283] {strides = array<i32>} : memref<200x128xf32, #tpu.memory_space<vmem>>, vector<1x16xf32>,
        %swap3A_285 = vector.shape_cast %swap3A_284 : vector<1x16xf32> to vector<16xf32>
        %swap3A_286 = vector.shape_cast %add3A_281 : vector<16xf32> to vector<1x16xf32>
        tpu.vector_store %arg10[%swap3A_282, %swap3A_283], %swap3A_286 {strides = array<i32>} : memref<200x128xf32, #tpu.memory_space<vmem>>, vector<1x16xf32>,
        %get3A_287 = arith.index_cast %scan3A_254 : i32 to index
        %get3A_288 = arith.constant 32 : index
        %get3A_289 = tpu.vector_load %arg10[%get3A_287, %get3A_288] {strides = array<i32>} : memref<200x128xf32, #tpu.memory_space<vmem>>, vector<1x16xf32>,
        %get3A_290 = vector.shape_cast %get3A_289 : vector<1x16xf32> to vector<16xf32>
        %mul3A_291 = arith.constant 11.3137083 : f32
        %mul3A_292 = vector.broadcast %mul3A_291 : f32 to vector<16xf32>
        %mul3A_293 = arith.mulf %get3A_290, %mul3A_292 : vector<16xf32>
        %get3A_294 = arith.index_cast %scan3A_254 : i32 to index
        %get3A_295 = arith.constant 32 : index
        %get3A_296 = tpu.vector_load %arg7[%get3A_294, %get3A_295] {strides = array<i32>} : memref<200x128xf32, #tpu.memory_space<vmem>>, vector<1x16xf32>,
        %get3A_297 = vector.shape_cast %get3A_296 : vector<1x16xf32> to vector<16xf32>
        %add3A_298 = arith.addf %mul3A_293, %get3A_297 : vector<16xf32>
        %swap3A_299 = arith.index_cast %scan3A_254 : i32 to index
        %swap3A_300 = arith.constant 32 : index
        %swap3A_301 = tpu.vector_load %arg10[%swap3A_299, %swap3A_300] {strides = array<i32>} : memref<200x128xf32, #tpu.memory_space<vmem>>, vector<1x16xf32>,
        %swap3A_302 = vector.shape_cast %swap3A_301 : vector<1x16xf32> to vector<16xf32>
        %swap3A_303 = vector.shape_cast %add3A_298 : vector<16xf32> to vector<1x16xf32>
        tpu.vector_store %arg10[%swap3A_299, %swap3A_300], %swap3A_303 {strides = array<i32>} : memref<200x128xf32, #tpu.memory_space<vmem>>, vector<1x16xf32>,
        %get3A_304 = arith.index_cast %scan3A_254 : i32 to index
        %get3A_305 = arith.constant 48 : index
        %get3A_306 = tpu.vector_load %arg10[%get3A_304, %get3A_305] {strides = array<i32>} : memref<200x128xf32, #tpu.memory_space<vmem>>, vector<1x16xf32>,
        %get3A_307 = vector.shape_cast %get3A_306 : vector<1x16xf32> to vector<16xf32>
        %mul3A_308 = arith.constant 11.3137083 : f32
        %mul3A_309 = vector.broadcast %mul3A_308 : f32 to vector<16xf32>
        %mul3A_310 = arith.mulf %get3A_307, %mul3A_309 : vector<16xf32>
        %get3A_311 = arith.index_cast %scan3A_254 : i32 to index
        %get3A_312 = arith.constant 48 : index
        %get3A_313 = tpu.vector_load %arg7[%get3A_311, %get3A_312] {strides = array<i32>} : memref<200x128xf32, #tpu.memory_space<vmem>>, vector<1x16xf32>,
        %get3A_314 = vector.shape_cast %get3A_313 : vector<1x16xf32> to vector<16xf32>
        %add3A_315 = arith.addf %mul3A_310, %get3A_314 : vector<16xf32>
        %swap3A_316 = arith.index_cast %scan3A_254 : i32 to index
        %swap3A_317 = arith.constant 48 : index
        %swap3A_318 = tpu.vector_load %arg10[%swap3A_316, %swap3A_317] {strides = array<i32>} : memref<200x128xf32, #tpu.memory_space<vmem>>, vector<1x16xf32>,
        %swap3A_319 = vector.shape_cast %swap3A_318 : vector<1x16xf32> to vector<16xf32>
        %swap3A_320 = vector.shape_cast %add3A_315 : vector<16xf32> to vector<1x16xf32>
        tpu.vector_store %arg10[%swap3A_316, %swap3A_317], %swap3A_320 {strides = array<i32>} : memref<200x128xf32, #tpu.memory_space<vmem>>, vector<1x16xf32>,
        %get3A_321 = arith.index_cast %scan3A_254 : i32 to index
        %get3A_322 = arith.constant 64 : index
        %get3A_323 = tpu.vector_load %arg10[%get3A_321, %get3A_322] {strides = array<i32>} : memref<200x128xf32, #tpu.memory_space<vmem>>, vector<1x16xf32>,
        %get3A_324 = vector.shape_cast %get3A_323 : vector<1x16xf32> to vector<16xf32>
        %mul3A_325 = arith.constant 11.3137083 : f32
        %mul3A_326 = vector.broadcast %mul3A_325 : f32 to vector<16xf32>
        %mul3A_327 = arith.mulf %get3A_324, %mul3A_326 : vector<16xf32>
        %get3A_328 = arith.index_cast %scan3A_254 : i32 to index
        %get3A_329 = arith.constant 64 : index
        %get3A_330 = tpu.vector_load %arg7[%get3A_328, %get3A_329] {strides = array<i32>} : memref<200x128xf32, #tpu.memory_space<vmem>>, vector<1x16xf32>,
        %get3A_331 = vector.shape_cast %get3A_330 : vector<1x16xf32> to vector<16xf32>
        %add3A_332 = arith.addf %mul3A_327, %get3A_331 : vector<16xf32>
        %swap3A_333 = arith.index_cast %scan3A_254 : i32 to index
        %swap3A_334 = arith.constant 64 : index
        %swap3A_335 = tpu.vector_load %arg10[%swap3A_333, %swap3A_334] {strides = array<i32>} : memref<200x128xf32, #tpu.memory_space<vmem>>, vector<1x16xf32>,
        %swap3A_336 = vector.shape_cast %swap3A_335 : vector<1x16xf32> to vector<16xf32>
        %swap3A_337 = vector.shape_cast %add3A_332 : vector<16xf32> to vector<1x16xf32>
        tpu.vector_store %arg10[%swap3A_333, %swap3A_334], %swap3A_337 {strides = array<i32>} : memref<200x128xf32, #tpu.memory_space<vmem>>, vector<1x16xf32>,
        %get3A_338 = arith.index_cast %scan3A_254 : i32 to index
        %get3A_339 = arith.constant 80 : index
        %get3A_340 = tpu.vector_load %arg10[%get3A_338, %get3A_339] {strides = array<i32>} : memref<200x128xf32, #tpu.memory_space<vmem>>, vector<1x16xf32>,
        %get3A_341 = vector.shape_cast %get3A_340 : vector<1x16xf32> to vector<16xf32>
        %mul3A_342 = arith.constant 11.3137083 : f32
        %mul3A_343 = vector.broadcast %mul3A_342 : f32 to vector<16xf32>
        %mul3A_344 = arith.mulf %get3A_341, %mul3A_343 : vector<16xf32>
        %get3A_345 = arith.index_cast %scan3A_254 : i32 to index
        %get3A_346 = arith.constant 80 : index
        %get3A_347 = tpu.vector_load %arg7[%get3A_345, %get3A_346] {strides = array<i32>} : memref<200x128xf32, #tpu.memory_space<vmem>>, vector<1x16xf32>,
        %get3A_348 = vector.shape_cast %get3A_347 : vector<1x16xf32> to vector<16xf32>
        %add3A_349 = arith.addf %mul3A_344, %get3A_348 : vector<16xf32>
        %swap3A_350 = arith.index_cast %scan3A_254 : i32 to index
        %swap3A_351 = arith.constant 80 : index
        %swap3A_352 = tpu.vector_load %arg10[%swap3A_350, %swap3A_351] {strides = array<i32>} : memref<200x128xf32, #tpu.memory_space<vmem>>, vector<1x16xf32>,
        %swap3A_353 = vector.shape_cast %swap3A_352 : vector<1x16xf32> to vector<16xf32>
        %swap3A_354 = vector.shape_cast %add3A_349 : vector<16xf32> to vector<1x16xf32>
        tpu.vector_store %arg10[%swap3A_350, %swap3A_351], %swap3A_354 {strides = array<i32>} : memref<200x128xf32, #tpu.memory_space<vmem>>, vector<1x16xf32>,
        %get3A_355 = arith.index_cast %scan3A_254 : i32 to index
        %get3A_356 = arith.constant 96 : index
        %get3A_357 = tpu.vector_load %arg10[%get3A_355, %get3A_356] {strides = array<i32>} : memref<200x128xf32, #tpu.memory_space<vmem>>, vector<1x16xf32>,
        %get3A_358 = vector.shape_cast %get3A_357 : vector<1x16xf32> to vector<16xf32>
        %mul3A_359 = arith.constant 11.3137083 : f32
        %mul3A_360 = vector.broadcast %mul3A_359 : f32 to vector<16xf32>
        %mul3A_361 = arith.mulf %get3A_358, %mul3A_360 : vector<16xf32>
        %get3A_362 = arith.index_cast %scan3A_254 : i32 to index
        %get3A_363 = arith.constant 96 : index
        %get3A_364 = tpu.vector_load %arg7[%get3A_362, %get3A_363] {strides = array<i32>} : memref<200x128xf32, #tpu.memory_space<vmem>>, vector<1x16xf32>,
        %get3A_365 = vector.shape_cast %get3A_364 : vector<1x16xf32> to vector<16xf32>
        %add3A_366 = arith.addf %mul3A_361, %get3A_365 : vector<16xf32>
        %swap3A_367 = arith.index_cast %scan3A_254 : i32 to index
        %swap3A_368 = arith.constant 96 : index
        %swap3A_369 = tpu.vector_load %arg10[%swap3A_367, %swap3A_368] {strides = array<i32>} : memref<200x128xf32, #tpu.memory_space<vmem>>, vector<1x16xf32>,
        %swap3A_370 = vector.shape_cast %swap3A_369 : vector<1x16xf32> to vector<16xf32>
        %swap3A_371 = vector.shape_cast %add3A_366 : vector<16xf32> to vector<1x16xf32>
        tpu.vector_store %arg10[%swap3A_367, %swap3A_368], %swap3A_371 {strides = array<i32>} : memref<200x128xf32, #tpu.memory_space<vmem>>, vector<1x16xf32>,
        %get3A_372 = arith.index_cast %scan3A_254 : i32 to index
        %get3A_373 = arith.constant 112 : index
        %get3A_374 = tpu.vector_load %arg10[%get3A_372, %get3A_373] {strides = array<i32>} : memref<200x128xf32, #tpu.memory_space<vmem>>, vector<1x16xf32>,
        %get3A_375 = vector.shape_cast %get3A_374 : vector<1x16xf32> to vector<16xf32>
        %mul3A_376 = arith.constant 11.3137083 : f32
        %mul3A_377 = vector.broadcast %mul3A_376 : f32 to vector<16xf32>
        %mul3A_378 = arith.mulf %get3A_375, %mul3A_377 : vector<16xf32>
        %get3A_379 = arith.index_cast %scan3A_254 : i32 to index
        %get3A_380 = arith.constant 112 : index
        %get3A_381 = tpu.vector_load %arg7[%get3A_379, %get3A_380] {strides = array<i32>} : memref<200x128xf32, #tpu.memory_space<vmem>>, vector<1x16xf32>,
        %get3A_382 = vector.shape_cast %get3A_381 : vector<1x16xf32> to vector<16xf32>
        %add3A_383 = arith.addf %mul3A_378, %get3A_382 : vector<16xf32>
        %swap3A_384 = arith.index_cast %scan3A_254 : i32 to index
        %swap3A_385 = arith.constant 112 : index
        %swap3A_386 = tpu.vector_load %arg10[%swap3A_384, %swap3A_385] {strides = array<i32>} : memref<200x128xf32, #tpu.memory_space<vmem>>, vector<1x16xf32>,
        %swap3A_387 = vector.shape_cast %swap3A_386 : vector<1x16xf32> to vector<16xf32>
        %swap3A_388 = vector.shape_cast %add3A_383 : vector<16xf32> to vector<1x16xf32>
        tpu.vector_store %arg10[%swap3A_384, %swap3A_385], %swap3A_388 {strides = array<i32>} : memref<200x128xf32, #tpu.memory_space<vmem>>, vector<1x16xf32>,
      }
      %scan3A_199 = arith.constant 200 : i32
      %mul3A_200 = arith.constant 200 : i32
      %mul3A_201 = arith.muli %add3A_175, %mul3A_200 : i32
      %add3A_202 = arith.addi %mul3A_2, %mul3A_201 : i32
      %dma_start3A_203 = arith.constant 0 : i32
      %dma_start3A_204 = tpu.memref_slice %arg5[%add3A_202, %dma_start3A_203] : memref<204800x128xf32, #tpu.memory_space<hbm>> -> memref<200x128xf32, #tpu.memory_space<hbm>>
      %dma_start3A_205 = arith.constant 0 : i32
      %dma_start3A_206 = tpu.memref_slice %arg5[%add3A_202, %dma_start3A_205] : memref<204800x128xf32, #tpu.memory_space<hbm>> -> memref<200x128xf32, #tpu.memory_space<hbm>>
      tpu.enqueue_dma source(%arg10 : memref<200x128xf32, #tpu.memory_space<vmem>>) target(%dma_start3A_206 : memref<200x128xf32, #tpu.memory_space<hbm>>) target_semaphore(%arg16 : memref<!tpu.dma_semaphore, #tpu.memory_space<semaphore_mem>>)
      %add3A_207 = arith.constant 2 : i32
      %add3A_208 = arith.addi %add3A_175, %add3A_207 : i32
      %le3A_209 = arith.constant 31 : i32
      %le3A_210 = arith.cmpi sle, %add3A_208, %le3A_209 : i32
      %convert_element_type3A_211 = arith.extui %le3A_210 : i1 to i32
      %cond3A_212 = arith.constant 0 : i32
      %cond3A_213 = arith.cmpi ne, %convert_element_type3A_211, %cond3A_212 : i32
      scf.if %cond3A_213 {
        %dma_wait3A_254 = arith.constant 0 : i32
        %dma_wait3A_255 = arith.constant 0 : i32
        %dma_wait3A_256 = tpu.memref_slice %arg5[%dma_wait3A_254, %dma_wait3A_255] : memref<204800x128xf32, #tpu.memory_space<hbm>> -> memref<200x128xf32, #tpu.memory_space<hbm>>
        %dma_wait3A_257 = arith.constant 0 : i32
        %dma_wait3A_258 = arith.constant 0 : i32
        %dma_wait3A_259 = tpu.memref_slice %arg5[%dma_wait3A_257, %dma_wait3A_258] : memref<204800x128xf32, #tpu.memory_space<hbm>> -> memref<200x128xf32, #tpu.memory_space<hbm>>
        tpu.wait_dma2 semaphore(%arg15 : memref<!tpu.dma_semaphore, #tpu.memory_space<semaphore_mem>>) src(%arg9 : memref<200x128xf32, #tpu.memory_space<vmem>>) dst(%dma_wait3A_259 : memref<200x128xf32, #tpu.memory_space<hbm>>)
        %add3A_260 = arith.constant 2 : i32
        %add3A_261 = arith.addi %add3A_175, %add3A_260 : i32
        %mul3A_262 = arith.constant 200 : i32
        %mul3A_263 = arith.muli %add3A_261, %mul3A_262 : i32
        %add3A_264 = arith.constant 104 : i32
        %add3A_265 = arith.addi %mul3A_263, %add3A_264 : i32
        %dma_start3A_266 = arith.constant 0 : i32
        %dma_start3A_267 = arith.constant 0 : i32
        %dma_start3A_268 = tpu.memref_slice %arg9[%dma_start3A_266, %dma_start3A_267] : memref<200x128xf32, #tpu.memory_space<vmem>> -> memref<104x128xf32, #tpu.memory_space<vmem>>
        %dma_start3A_269 = tpu.memref_slice %arg6[%mul3A_263] : memref<6400xi32, #tpu.memory_space<vmem>> -> memref<104xi32, #tpu.memory_space<vmem>>
        %dma_start3A_270 = arith.constant 0 : i32
        %dma_start3A_271 = arith.constant 0 : i32
        %dma_start3A_272 = tpu.memref_slice %arg3[%dma_start3A_270, %dma_start3A_271] : memref<100000x128xf32, #tpu.memory_space<hbm>> -> memref<100000x128xf32, #tpu.memory_space<hbm>>
        tpu.enqueue_indirect_dma source(%dma_start3A_272 : memref<100000x128xf32, #tpu.memory_space<hbm>>) target(%dma_start3A_268 : memref<104x128xf32, #tpu.memory_space<vmem>>) offsets(%dma_start3A_269 : memref<104xi32, #tpu.memory_space<vmem>>) semaphore(%arg12 : memref<!tpu.dma_semaphore, #tpu.memory_space<semaphore_mem>>)
        %dma_start3A_273 = arith.constant 104 : i32
        %dma_start3A_274 = arith.constant 0 : i32
        %dma_start3A_275 = tpu.memref_slice %arg9[%dma_start3A_273, %dma_start3A_274] : memref<200x128xf32, #tpu.memory_space<vmem>> -> memref<96x128xf32, #tpu.memory_space<vmem>>
        %dma_start3A_276 = tpu.memref_slice %arg6[%add3A_265] : memref<6400xi32, #tpu.memory_space<vmem>> -> memref<96xi32, #tpu.memory_space<vmem>>
        %dma_start3A_277 = arith.constant 0 : i32
        %dma_start3A_278 = arith.constant 0 : i32
        %dma_start3A_279 = tpu.memref_slice %arg3[%dma_start3A_277, %dma_start3A_278] : memref<100000x128xf32, #tpu.memory_space<hbm>> -> memref<100000x128xf32, #tpu.memory_space<hbm>>
        tpu.enqueue_indirect_dma source(%dma_start3A_279 : memref<100000x128xf32, #tpu.memory_space<hbm>>) target(%dma_start3A_275 : memref<96x128xf32, #tpu.memory_space<vmem>>) offsets(%dma_start3A_276 : memref<96xi32, #tpu.memory_space<vmem>>) semaphore(%arg12 : memref<!tpu.dma_semaphore, #tpu.memory_space<semaphore_mem>>)
      } else {
      }
      %add3A_214 = arith.constant 2 : i32
      %add3A_215 = arith.addi %add3A_136, %add3A_214 : i32
      %mul3A_216 = arith.constant 200 : i32
      %mul3A_217 = arith.muli %add3A_215, %mul3A_216 : i32
      %add3A_218 = arith.constant 104 : i32
      %add3A_219 = arith.addi %mul3A_217, %add3A_218 : i32
      %dma_wait3A_220 = arith.constant 0 : i32
      %dma_wait3A_221 = arith.constant 0 : i32
      %dma_wait3A_222 = tpu.memref_slice %arg8[%dma_wait3A_220, %dma_wait3A_221] : memref<200x128xf32, #tpu.memory_space<vmem>> -> memref<104x128xf32, #tpu.memory_space<vmem>>
      %dma_wait3A_223 = tpu.memref_slice %arg6[%mul3A_217] : memref<6400xi32, #tpu.memory_space<vmem>> -> memref<104xi32, #tpu.memory_space<vmem>>
      %dma_wait3A_224 = arith.constant 0 : i32
      %dma_wait3A_225 = arith.constant 0 : i32
      %dma_wait3A_226 = tpu.memref_slice %arg3[%dma_wait3A_224, %dma_wait3A_225] : memref<100000x128xf32, #tpu.memory_space<hbm>> -> memref<100000x128xf32, #tpu.memory_space<hbm>>
      tpu.wait_indirect_dma semaphore(%arg11 : memref<!tpu.dma_semaphore, #tpu.memory_space<semaphore_mem>>) src(%dma_wait3A_226 : memref<100000x128xf32, #tpu.memory_space<hbm>>) dst(%dma_wait3A_222 : memref<104x128xf32, #tpu.memory_space<vmem>>)
      %dma_wait3A_227 = arith.constant 104 : i32
      %dma_wait3A_228 = arith.constant 0 : i32
      %dma_wait3A_229 = tpu.memref_slice %arg8[%dma_wait3A_227, %dma_wait3A_228] : memref<200x128xf32, #tpu.memory_space<vmem>> -> memref<96x128xf32, #tpu.memory_space<vmem>>
      %dma_wait3A_230 = tpu.memref_slice %arg6[%add3A_219] : memref<6400xi32, #tpu.memory_space<vmem>> -> memref<96xi32, #tpu.memory_space<vmem>>
      %dma_wait3A_231 = arith.constant 0 : i32
      %dma_wait3A_232 = arith.constant 0 : i32
      %dma_wait3A_233 = tpu.memref_slice %arg3[%dma_wait3A_231, %dma_wait3A_232] : memref<100000x128xf32, #tpu.memory_space<hbm>> -> memref<100000x128xf32, #tpu.memory_space<hbm>>
      tpu.wait_indirect_dma semaphore(%arg11 : memref<!tpu.dma_semaphore, #tpu.memory_space<semaphore_mem>>) src(%dma_wait3A_233 : memref<100000x128xf32, #tpu.memory_space<hbm>>) dst(%dma_wait3A_229 : memref<96x128xf32, #tpu.memory_space<vmem>>)
      %scan3A_234 = arith.constant 0 : i32
      %scan3A_235 = arith.constant 0 : i32
      %scan3A_236 = arith.constant 200 : i32
      %scan3A_237 = arith.addi %scan3A_235, %scan3A_236 : i32
      %scan3A_238 = arith.constant 1 : i32
      scf.for %scan3A_254 = %scan3A_235 to %scan3A_237 step %scan3A_238  : i32 {
        %get3A = arith.index_cast %scan3A_254 : i32 to index
        %get3A_255 = arith.constant 0 : index
        %get3A_256 = tpu.vector_load %arg8[%get3A, %get3A_255] {strides = array<i32>} : memref<200x128xf32, #tpu.memory_space<vmem>>, vector<1x16xf32>,
        %get3A_257 = vector.shape_cast %get3A_256 : vector<1x16xf32> to vector<16xf32>
        %mul3A_258 = arith.constant 11.3137083 : f32
        %mul3A_259 = vector.broadcast %mul3A_258 : f32 to vector<16xf32>
        %mul3A_260 = arith.mulf %get3A_257, %mul3A_259 : vector<16xf32>
        %get3A_261 = arith.index_cast %scan3A_254 : i32 to index
        %get3A_262 = arith.constant 0 : index
        %get3A_263 = tpu.vector_load %arg7[%get3A_261, %get3A_262] {strides = array<i32>} : memref<200x128xf32, #tpu.memory_space<vmem>>, vector<1x16xf32>,
        %get3A_264 = vector.shape_cast %get3A_263 : vector<1x16xf32> to vector<16xf32>
        %add3A_265 = arith.addf %mul3A_260, %get3A_264 : vector<16xf32>
        %swap3A = arith.index_cast %scan3A_254 : i32 to index
        %swap3A_266 = arith.constant 0 : index
        %swap3A_267 = tpu.vector_load %arg8[%swap3A, %swap3A_266] {strides = array<i32>} : memref<200x128xf32, #tpu.memory_space<vmem>>, vector<1x16xf32>,
        %swap3A_268 = vector.shape_cast %swap3A_267 : vector<1x16xf32> to vector<16xf32>
        %swap3A_269 = vector.shape_cast %add3A_265 : vector<16xf32> to vector<1x16xf32>
        tpu.vector_store %arg8[%swap3A, %swap3A_266], %swap3A_269 {strides = array<i32>} : memref<200x128xf32, #tpu.memory_space<vmem>>, vector<1x16xf32>,
        %get3A_270 = arith.index_cast %scan3A_254 : i32 to index
        %get3A_271 = arith.constant 16 : index
        %get3A_272 = tpu.vector_load %arg8[%get3A_270, %get3A_271] {strides = array<i32>} : memref<200x128xf32, #tpu.memory_space<vmem>>, vector<1x16xf32>,
        %get3A_273 = vector.shape_cast %get3A_272 : vector<1x16xf32> to vector<16xf32>
        %mul3A_274 = arith.constant 11.3137083 : f32
        %mul3A_275 = vector.broadcast %mul3A_274 : f32 to vector<16xf32>
        %mul3A_276 = arith.mulf %get3A_273, %mul3A_275 : vector<16xf32>
        %get3A_277 = arith.index_cast %scan3A_254 : i32 to index
        %get3A_278 = arith.constant 16 : index
        %get3A_279 = tpu.vector_load %arg7[%get3A_277, %get3A_278] {strides = array<i32>} : memref<200x128xf32, #tpu.memory_space<vmem>>, vector<1x16xf32>,
        %get3A_280 = vector.shape_cast %get3A_279 : vector<1x16xf32> to vector<16xf32>
        %add3A_281 = arith.addf %mul3A_276, %get3A_280 : vector<16xf32>
        %swap3A_282 = arith.index_cast %scan3A_254 : i32 to index
        %swap3A_283 = arith.constant 16 : index
        %swap3A_284 = tpu.vector_load %arg8[%swap3A_282, %swap3A_283] {strides = array<i32>} : memref<200x128xf32, #tpu.memory_space<vmem>>, vector<1x16xf32>,
        %swap3A_285 = vector.shape_cast %swap3A_284 : vector<1x16xf32> to vector<16xf32>
        %swap3A_286 = vector.shape_cast %add3A_281 : vector<16xf32> to vector<1x16xf32>
        tpu.vector_store %arg8[%swap3A_282, %swap3A_283], %swap3A_286 {strides = array<i32>} : memref<200x128xf32, #tpu.memory_space<vmem>>, vector<1x16xf32>,
        %get3A_287 = arith.index_cast %scan3A_254 : i32 to index
        %get3A_288 = arith.constant 32 : index
        %get3A_289 = tpu.vector_load %arg8[%get3A_287, %get3A_288] {strides = array<i32>} : memref<200x128xf32, #tpu.memory_space<vmem>>, vector<1x16xf32>,
        %get3A_290 = vector.shape_cast %get3A_289 : vector<1x16xf32> to vector<16xf32>
        %mul3A_291 = arith.constant 11.3137083 : f32
        %mul3A_292 = vector.broadcast %mul3A_291 : f32 to vector<16xf32>
        %mul3A_293 = arith.mulf %get3A_290, %mul3A_292 : vector<16xf32>
        %get3A_294 = arith.index_cast %scan3A_254 : i32 to index
        %get3A_295 = arith.constant 32 : index
        %get3A_296 = tpu.vector_load %arg7[%get3A_294, %get3A_295] {strides = array<i32>} : memref<200x128xf32, #tpu.memory_space<vmem>>, vector<1x16xf32>,
        %get3A_297 = vector.shape_cast %get3A_296 : vector<1x16xf32> to vector<16xf32>
        %add3A_298 = arith.addf %mul3A_293, %get3A_297 : vector<16xf32>
        %swap3A_299 = arith.index_cast %scan3A_254 : i32 to index
        %swap3A_300 = arith.constant 32 : index
        %swap3A_301 = tpu.vector_load %arg8[%swap3A_299, %swap3A_300] {strides = array<i32>} : memref<200x128xf32, #tpu.memory_space<vmem>>, vector<1x16xf32>,
        %swap3A_302 = vector.shape_cast %swap3A_301 : vector<1x16xf32> to vector<16xf32>
        %swap3A_303 = vector.shape_cast %add3A_298 : vector<16xf32> to vector<1x16xf32>
        tpu.vector_store %arg8[%swap3A_299, %swap3A_300], %swap3A_303 {strides = array<i32>} : memref<200x128xf32, #tpu.memory_space<vmem>>, vector<1x16xf32>,
        %get3A_304 = arith.index_cast %scan3A_254 : i32 to index
        %get3A_305 = arith.constant 48 : index
        %get3A_306 = tpu.vector_load %arg8[%get3A_304, %get3A_305] {strides = array<i32>} : memref<200x128xf32, #tpu.memory_space<vmem>>, vector<1x16xf32>,
        %get3A_307 = vector.shape_cast %get3A_306 : vector<1x16xf32> to vector<16xf32>
        %mul3A_308 = arith.constant 11.3137083 : f32
        %mul3A_309 = vector.broadcast %mul3A_308 : f32 to vector<16xf32>
        %mul3A_310 = arith.mulf %get3A_307, %mul3A_309 : vector<16xf32>
        %get3A_311 = arith.index_cast %scan3A_254 : i32 to index
        %get3A_312 = arith.constant 48 : index
        %get3A_313 = tpu.vector_load %arg7[%get3A_311, %get3A_312] {strides = array<i32>} : memref<200x128xf32, #tpu.memory_space<vmem>>, vector<1x16xf32>,
        %get3A_314 = vector.shape_cast %get3A_313 : vector<1x16xf32> to vector<16xf32>
        %add3A_315 = arith.addf %mul3A_310, %get3A_314 : vector<16xf32>
        %swap3A_316 = arith.index_cast %scan3A_254 : i32 to index
        %swap3A_317 = arith.constant 48 : index
        %swap3A_318 = tpu.vector_load %arg8[%swap3A_316, %swap3A_317] {strides = array<i32>} : memref<200x128xf32, #tpu.memory_space<vmem>>, vector<1x16xf32>,
        %swap3A_319 = vector.shape_cast %swap3A_318 : vector<1x16xf32> to vector<16xf32>
        %swap3A_320 = vector.shape_cast %add3A_315 : vector<16xf32> to vector<1x16xf32>
        tpu.vector_store %arg8[%swap3A_316, %swap3A_317], %swap3A_320 {strides = array<i32>} : memref<200x128xf32, #tpu.memory_space<vmem>>, vector<1x16xf32>,
        %get3A_321 = arith.index_cast %scan3A_254 : i32 to index
        %get3A_322 = arith.constant 64 : index
        %get3A_323 = tpu.vector_load %arg8[%get3A_321, %get3A_322] {strides = array<i32>} : memref<200x128xf32, #tpu.memory_space<vmem>>, vector<1x16xf32>,
        %get3A_324 = vector.shape_cast %get3A_323 : vector<1x16xf32> to vector<16xf32>
        %mul3A_325 = arith.constant 11.3137083 : f32
        %mul3A_326 = vector.broadcast %mul3A_325 : f32 to vector<16xf32>
        %mul3A_327 = arith.mulf %get3A_324, %mul3A_326 : vector<16xf32>
        %get3A_328 = arith.index_cast %scan3A_254 : i32 to index
        %get3A_329 = arith.constant 64 : index
        %get3A_330 = tpu.vector_load %arg7[%get3A_328, %get3A_329] {strides = array<i32>} : memref<200x128xf32, #tpu.memory_space<vmem>>, vector<1x16xf32>,
        %get3A_331 = vector.shape_cast %get3A_330 : vector<1x16xf32> to vector<16xf32>
        %add3A_332 = arith.addf %mul3A_327, %get3A_331 : vector<16xf32>
        %swap3A_333 = arith.index_cast %scan3A_254 : i32 to index
        %swap3A_334 = arith.constant 64 : index
        %swap3A_335 = tpu.vector_load %arg8[%swap3A_333, %swap3A_334] {strides = array<i32>} : memref<200x128xf32, #tpu.memory_space<vmem>>, vector<1x16xf32>,
        %swap3A_336 = vector.shape_cast %swap3A_335 : vector<1x16xf32> to vector<16xf32>
        %swap3A_337 = vector.shape_cast %add3A_332 : vector<16xf32> to vector<1x16xf32>
        tpu.vector_store %arg8[%swap3A_333, %swap3A_334], %swap3A_337 {strides = array<i32>} : memref<200x128xf32, #tpu.memory_space<vmem>>, vector<1x16xf32>,
        %get3A_338 = arith.index_cast %scan3A_254 : i32 to index
        %get3A_339 = arith.constant 80 : index
        %get3A_340 = tpu.vector_load %arg8[%get3A_338, %get3A_339] {strides = array<i32>} : memref<200x128xf32, #tpu.memory_space<vmem>>, vector<1x16xf32>,
        %get3A_341 = vector.shape_cast %get3A_340 : vector<1x16xf32> to vector<16xf32>
        %mul3A_342 = arith.constant 11.3137083 : f32
        %mul3A_343 = vector.broadcast %mul3A_342 : f32 to vector<16xf32>
        %mul3A_344 = arith.mulf %get3A_341, %mul3A_343 : vector<16xf32>
        %get3A_345 = arith.index_cast %scan3A_254 : i32 to index
        %get3A_346 = arith.constant 80 : index
        %get3A_347 = tpu.vector_load %arg7[%get3A_345, %get3A_346] {strides = array<i32>} : memref<200x128xf32, #tpu.memory_space<vmem>>, vector<1x16xf32>,
        %get3A_348 = vector.shape_cast %get3A_347 : vector<1x16xf32> to vector<16xf32>
        %add3A_349 = arith.addf %mul3A_344, %get3A_348 : vector<16xf32>
        %swap3A_350 = arith.index_cast %scan3A_254 : i32 to index
        %swap3A_351 = arith.constant 80 : index
        %swap3A_352 = tpu.vector_load %arg8[%swap3A_350, %swap3A_351] {strides = array<i32>} : memref<200x128xf32, #tpu.memory_space<vmem>>, vector<1x16xf32>,
        %swap3A_353 = vector.shape_cast %swap3A_352 : vector<1x16xf32> to vector<16xf32>
        %swap3A_354 = vector.shape_cast %add3A_349 : vector<16xf32> to vector<1x16xf32>
        tpu.vector_store %arg8[%swap3A_350, %swap3A_351], %swap3A_354 {strides = array<i32>} : memref<200x128xf32, #tpu.memory_space<vmem>>, vector<1x16xf32>,
        %get3A_355 = arith.index_cast %scan3A_254 : i32 to index
        %get3A_356 = arith.constant 96 : index
        %get3A_357 = tpu.vector_load %arg8[%get3A_355, %get3A_356] {strides = array<i32>} : memref<200x128xf32, #tpu.memory_space<vmem>>, vector<1x16xf32>,
        %get3A_358 = vector.shape_cast %get3A_357 : vector<1x16xf32> to vector<16xf32>
        %mul3A_359 = arith.constant 11.3137083 : f32
        %mul3A_360 = vector.broadcast %mul3A_359 : f32 to vector<16xf32>
        %mul3A_361 = arith.mulf %get3A_358, %mul3A_360 : vector<16xf32>
        %get3A_362 = arith.index_cast %scan3A_254 : i32 to index
        %get3A_363 = arith.constant 96 : index
        %get3A_364 = tpu.vector_load %arg7[%get3A_362, %get3A_363] {strides = array<i32>} : memref<200x128xf32, #tpu.memory_space<vmem>>, vector<1x16xf32>,
        %get3A_365 = vector.shape_cast %get3A_364 : vector<1x16xf32> to vector<16xf32>
        %add3A_366 = arith.addf %mul3A_361, %get3A_365 : vector<16xf32>
        %swap3A_367 = arith.index_cast %scan3A_254 : i32 to index
        %swap3A_368 = arith.constant 96 : index
        %swap3A_369 = tpu.vector_load %arg8[%swap3A_367, %swap3A_368] {strides = array<i32>} : memref<200x128xf32, #tpu.memory_space<vmem>>, vector<1x16xf32>,
        %swap3A_370 = vector.shape_cast %swap3A_369 : vector<1x16xf32> to vector<16xf32>
        %swap3A_371 = vector.shape_cast %add3A_366 : vector<16xf32> to vector<1x16xf32>
        tpu.vector_store %arg8[%swap3A_367, %swap3A_368], %swap3A_371 {strides = array<i32>} : memref<200x128xf32, #tpu.memory_space<vmem>>, vector<1x16xf32>,
        %get3A_372 = arith.index_cast %scan3A_254 : i32 to index
        %get3A_373 = arith.constant 112 : index
        %get3A_374 = tpu.vector_load %arg8[%get3A_372, %get3A_373] {strides = array<i32>} : memref<200x128xf32, #tpu.memory_space<vmem>>, vector<1x16xf32>,
        %get3A_375 = vector.shape_cast %get3A_374 : vector<1x16xf32> to vector<16xf32>
        %mul3A_376 = arith.constant 11.3137083 : f32
        %mul3A_377 = vector.broadcast %mul3A_376 : f32 to vector<16xf32>
        %mul3A_378 = arith.mulf %get3A_375, %mul3A_377 : vector<16xf32>
        %get3A_379 = arith.index_cast %scan3A_254 : i32 to index
        %get3A_380 = arith.constant 112 : index
        %get3A_381 = tpu.vector_load %arg7[%get3A_379, %get3A_380] {strides = array<i32>} : memref<200x128xf32, #tpu.memory_space<vmem>>, vector<1x16xf32>,
        %get3A_382 = vector.shape_cast %get3A_381 : vector<1x16xf32> to vector<16xf32>
        %add3A_383 = arith.addf %mul3A_378, %get3A_382 : vector<16xf32>
        %swap3A_384 = arith.index_cast %scan3A_254 : i32 to index
        %swap3A_385 = arith.constant 112 : index
        %swap3A_386 = tpu.vector_load %arg8[%swap3A_384, %swap3A_385] {strides = array<i32>} : memref<200x128xf32, #tpu.memory_space<vmem>>, vector<1x16xf32>,
        %swap3A_387 = vector.shape_cast %swap3A_386 : vector<1x16xf32> to vector<16xf32>
        %swap3A_388 = vector.shape_cast %add3A_383 : vector<16xf32> to vector<1x16xf32>
        tpu.vector_store %arg8[%swap3A_384, %swap3A_385], %swap3A_388 {strides = array<i32>} : memref<200x128xf32, #tpu.memory_space<vmem>>, vector<1x16xf32>,
      }
      %scan3A_239 = arith.constant 200 : i32
      %mul3A_240 = arith.constant 200 : i32
      %mul3A_241 = arith.muli %add3A_215, %mul3A_240 : i32
      %add3A_242 = arith.addi %mul3A_2, %mul3A_241 : i32
      %dma_start3A_243 = arith.constant 0 : i32
      %dma_start3A_244 = tpu.memref_slice %arg5[%add3A_242, %dma_start3A_243] : memref<204800x128xf32, #tpu.memory_space<hbm>> -> memref<200x128xf32, #tpu.memory_space<hbm>>
      %dma_start3A_245 = arith.constant 0 : i32
      %dma_start3A_246 = tpu.memref_slice %arg5[%add3A_242, %dma_start3A_245] : memref<204800x128xf32, #tpu.memory_space<hbm>> -> memref<200x128xf32, #tpu.memory_space<hbm>>
      tpu.enqueue_dma source(%arg8 : memref<200x128xf32, #tpu.memory_space<vmem>>) target(%dma_start3A_246 : memref<200x128xf32, #tpu.memory_space<hbm>>) target_semaphore(%arg14 : memref<!tpu.dma_semaphore, #tpu.memory_space<semaphore_mem>>)
      %add3A_247 = arith.constant 2 : i32
      %add3A_248 = arith.addi %add3A_215, %add3A_247 : i32
      %le3A_249 = arith.constant 31 : i32
      %le3A_250 = arith.cmpi sle, %add3A_248, %le3A_249 : i32
      %convert_element_type3A_251 = arith.extui %le3A_250 : i1 to i32
      %cond3A_252 = arith.constant 0 : i32
      %cond3A_253 = arith.cmpi ne, %convert_element_type3A_251, %cond3A_252 : i32
      scf.if %cond3A_253 {
        %dma_wait3A_254 = arith.constant 0 : i32
        %dma_wait3A_255 = arith.constant 0 : i32
        %dma_wait3A_256 = tpu.memref_slice %arg5[%dma_wait3A_254, %dma_wait3A_255] : memref<204800x128xf32, #tpu.memory_space<hbm>> -> memref<200x128xf32, #tpu.memory_space<hbm>>
        %dma_wait3A_257 = arith.constant 0 : i32
        %dma_wait3A_258 = arith.constant 0 : i32
        %dma_wait3A_259 = tpu.memref_slice %arg5[%dma_wait3A_257, %dma_wait3A_258] : memref<204800x128xf32, #tpu.memory_space<hbm>> -> memref<200x128xf32, #tpu.memory_space<hbm>>
        tpu.wait_dma2 semaphore(%arg16 : memref<!tpu.dma_semaphore, #tpu.memory_space<semaphore_mem>>) src(%arg10 : memref<200x128xf32, #tpu.memory_space<vmem>>) dst(%dma_wait3A_259 : memref<200x128xf32, #tpu.memory_space<hbm>>)
        %add3A_260 = arith.constant 2 : i32
        %add3A_261 = arith.addi %add3A_215, %add3A_260 : i32
        %mul3A_262 = arith.constant 200 : i32
        %mul3A_263 = arith.muli %add3A_261, %mul3A_262 : i32
        %add3A_264 = arith.constant 104 : i32
        %add3A_265 = arith.addi %mul3A_263, %add3A_264 : i32
        %dma_start3A_266 = arith.constant 0 : i32
        %dma_start3A_267 = arith.constant 0 : i32
        %dma_start3A_268 = tpu.memref_slice %arg10[%dma_start3A_266, %dma_start3A_267] : memref<200x128xf32, #tpu.memory_space<vmem>> -> memref<104x128xf32, #tpu.memory_space<vmem>>
        %dma_start3A_269 = tpu.memref_slice %arg6[%mul3A_263] : memref<6400xi32, #tpu.memory_space<vmem>> -> memref<104xi32, #tpu.memory_space<vmem>>
        %dma_start3A_270 = arith.constant 0 : i32
        %dma_start3A_271 = arith.constant 0 : i32
        %dma_start3A_272 = tpu.memref_slice %arg3[%dma_start3A_270, %dma_start3A_271] : memref<100000x128xf32, #tpu.memory_space<hbm>> -> memref<100000x128xf32, #tpu.memory_space<hbm>>
        tpu.enqueue_indirect_dma source(%dma_start3A_272 : memref<100000x128xf32, #tpu.memory_space<hbm>>) target(%dma_start3A_268 : memref<104x128xf32, #tpu.memory_space<vmem>>) offsets(%dma_start3A_269 : memref<104xi32, #tpu.memory_space<vmem>>) semaphore(%arg13 : memref<!tpu.dma_semaphore, #tpu.memory_space<semaphore_mem>>)
        %dma_start3A_273 = arith.constant 104 : i32
        %dma_start3A_274 = arith.constant 0 : i32
        %dma_start3A_275 = tpu.memref_slice %arg10[%dma_start3A_273, %dma_start3A_274] : memref<200x128xf32, #tpu.memory_space<vmem>> -> memref<96x128xf32, #tpu.memory_space<vmem>>
        %dma_start3A_276 = tpu.memref_slice %arg6[%add3A_265] : memref<6400xi32, #tpu.memory_space<vmem>> -> memref<96xi32, #tpu.memory_space<vmem>>
        %dma_start3A_277 = arith.constant 0 : i32
        %dma_start3A_278 = arith.constant 0 : i32
        %dma_start3A_279 = tpu.memref_slice %arg3[%dma_start3A_277, %dma_start3A_278] : memref<100000x128xf32, #tpu.memory_space<hbm>> -> memref<100000x128xf32, #tpu.memory_space<hbm>>
        tpu.enqueue_indirect_dma source(%dma_start3A_279 : memref<100000x128xf32, #tpu.memory_space<hbm>>) target(%dma_start3A_275 : memref<96x128xf32, #tpu.memory_space<vmem>>) offsets(%dma_start3A_276 : memref<96xi32, #tpu.memory_space<vmem>>) semaphore(%arg13 : memref<!tpu.dma_semaphore, #tpu.memory_space<semaphore_mem>>)
      } else {
      }
    }
    %scan3A_85 = arith.constant 10 : i32
    %dma_wait3A_86 = arith.constant 0 : i32
    %dma_wait3A_87 = arith.constant 0 : i32
    %dma_wait3A_88 = tpu.memref_slice %arg9[%dma_wait3A_86, %dma_wait3A_87] : memref<200x128xf32, #tpu.memory_space<vmem>> -> memref<104x128xf32, #tpu.memory_space<vmem>>
    %dma_wait3A_89 = arith.constant 6200 : i32
    %dma_wait3A_90 = tpu.memref_slice %arg6[%dma_wait3A_89] : memref<6400xi32, #tpu.memory_space<vmem>> -> memref<104xi32, #tpu.memory_space<vmem>>
    %dma_wait3A_91 = arith.constant 0 : i32
    %dma_wait3A_92 = arith.constant 0 : i32
    %dma_wait3A_93 = tpu.memref_slice %arg3[%dma_wait3A_91, %dma_wait3A_92] : memref<100000x128xf32, #tpu.memory_space<hbm>> -> memref<100000x128xf32, #tpu.memory_space<hbm>>
    tpu.wait_indirect_dma semaphore(%arg12 : memref<!tpu.dma_semaphore, #tpu.memory_space<semaphore_mem>>) src(%dma_wait3A_93 : memref<100000x128xf32, #tpu.memory_space<hbm>>) dst(%dma_wait3A_88 : memref<104x128xf32, #tpu.memory_space<vmem>>)
    %dma_wait3A_94 = arith.constant 104 : i32
    %dma_wait3A_95 = arith.constant 0 : i32
    %dma_wait3A_96 = tpu.memref_slice %arg9[%dma_wait3A_94, %dma_wait3A_95] : memref<200x128xf32, #tpu.memory_space<vmem>> -> memref<96x128xf32, #tpu.memory_space<vmem>>
    %dma_wait3A_97 = arith.constant 6304 : i32
    %dma_wait3A_98 = tpu.memref_slice %arg6[%dma_wait3A_97] : memref<6400xi32, #tpu.memory_space<vmem>> -> memref<96xi32, #tpu.memory_space<vmem>>
    %dma_wait3A_99 = arith.constant 0 : i32
    %dma_wait3A_100 = arith.constant 0 : i32
    %dma_wait3A_101 = tpu.memref_slice %arg3[%dma_wait3A_99, %dma_wait3A_100] : memref<100000x128xf32, #tpu.memory_space<hbm>> -> memref<100000x128xf32, #tpu.memory_space<hbm>>
    tpu.wait_indirect_dma semaphore(%arg12 : memref<!tpu.dma_semaphore, #tpu.memory_space<semaphore_mem>>) src(%dma_wait3A_101 : memref<100000x128xf32, #tpu.memory_space<hbm>>) dst(%dma_wait3A_96 : memref<96x128xf32, #tpu.memory_space<vmem>>)
    %scan3A_102 = arith.constant 0 : i32
    %scan3A_103 = arith.constant 0 : i32
    %scan3A_104 = arith.constant 200 : i32
    %scan3A_105 = arith.addi %scan3A_103, %scan3A_104 : i32
    %scan3A_106 = arith.constant 1 : i32
    scf.for %scan3A_132 = %scan3A_103 to %scan3A_105 step %scan3A_106  : i32 {
      %get3A = arith.index_cast %scan3A_132 : i32 to index
      %get3A_133 = arith.constant 0 : index
      %get3A_134 = tpu.vector_load %arg9[%get3A, %get3A_133] {strides = array<i32>} : memref<200x128xf32, #tpu.memory_space<vmem>>, vector<1x16xf32>,
      %get3A_135 = vector.shape_cast %get3A_134 : vector<1x16xf32> to vector<16xf32>
      %mul3A_136 = arith.constant 11.3137083 : f32
      %mul3A_137 = vector.broadcast %mul3A_136 : f32 to vector<16xf32>
      %mul3A_138 = arith.mulf %get3A_135, %mul3A_137 : vector<16xf32>
      %get3A_139 = arith.index_cast %scan3A_132 : i32 to index
      %get3A_140 = arith.constant 0 : index
      %get3A_141 = tpu.vector_load %arg7[%get3A_139, %get3A_140] {strides = array<i32>} : memref<200x128xf32, #tpu.memory_space<vmem>>, vector<1x16xf32>,
      %get3A_142 = vector.shape_cast %get3A_141 : vector<1x16xf32> to vector<16xf32>
      %add3A_143 = arith.addf %mul3A_138, %get3A_142 : vector<16xf32>
      %swap3A = arith.index_cast %scan3A_132 : i32 to index
      %swap3A_144 = arith.constant 0 : index
      %swap3A_145 = tpu.vector_load %arg9[%swap3A, %swap3A_144] {strides = array<i32>} : memref<200x128xf32, #tpu.memory_space<vmem>>, vector<1x16xf32>,
      %swap3A_146 = vector.shape_cast %swap3A_145 : vector<1x16xf32> to vector<16xf32>
      %swap3A_147 = vector.shape_cast %add3A_143 : vector<16xf32> to vector<1x16xf32>
      tpu.vector_store %arg9[%swap3A, %swap3A_144], %swap3A_147 {strides = array<i32>} : memref<200x128xf32, #tpu.memory_space<vmem>>, vector<1x16xf32>,
      %get3A_148 = arith.index_cast %scan3A_132 : i32 to index
      %get3A_149 = arith.constant 16 : index
      %get3A_150 = tpu.vector_load %arg9[%get3A_148, %get3A_149] {strides = array<i32>} : memref<200x128xf32, #tpu.memory_space<vmem>>, vector<1x16xf32>,
      %get3A_151 = vector.shape_cast %get3A_150 : vector<1x16xf32> to vector<16xf32>
      %mul3A_152 = arith.constant 11.3137083 : f32
      %mul3A_153 = vector.broadcast %mul3A_152 : f32 to vector<16xf32>
      %mul3A_154 = arith.mulf %get3A_151, %mul3A_153 : vector<16xf32>
      %get3A_155 = arith.index_cast %scan3A_132 : i32 to index
      %get3A_156 = arith.constant 16 : index
      %get3A_157 = tpu.vector_load %arg7[%get3A_155, %get3A_156] {strides = array<i32>} : memref<200x128xf32, #tpu.memory_space<vmem>>, vector<1x16xf32>,
      %get3A_158 = vector.shape_cast %get3A_157 : vector<1x16xf32> to vector<16xf32>
      %add3A_159 = arith.addf %mul3A_154, %get3A_158 : vector<16xf32>
      %swap3A_160 = arith.index_cast %scan3A_132 : i32 to index
      %swap3A_161 = arith.constant 16 : index
      %swap3A_162 = tpu.vector_load %arg9[%swap3A_160, %swap3A_161] {strides = array<i32>} : memref<200x128xf32, #tpu.memory_space<vmem>>, vector<1x16xf32>,
      %swap3A_163 = vector.shape_cast %swap3A_162 : vector<1x16xf32> to vector<16xf32>
      %swap3A_164 = vector.shape_cast %add3A_159 : vector<16xf32> to vector<1x16xf32>
      tpu.vector_store %arg9[%swap3A_160, %swap3A_161], %swap3A_164 {strides = array<i32>} : memref<200x128xf32, #tpu.memory_space<vmem>>, vector<1x16xf32>,
      %get3A_165 = arith.index_cast %scan3A_132 : i32 to index
      %get3A_166 = arith.constant 32 : index
      %get3A_167 = tpu.vector_load %arg9[%get3A_165, %get3A_166] {strides = array<i32>} : memref<200x128xf32, #tpu.memory_space<vmem>>, vector<1x16xf32>,
      %get3A_168 = vector.shape_cast %get3A_167 : vector<1x16xf32> to vector<16xf32>
      %mul3A_169 = arith.constant 11.3137083 : f32
      %mul3A_170 = vector.broadcast %mul3A_169 : f32 to vector<16xf32>
      %mul3A_171 = arith.mulf %get3A_168, %mul3A_170 : vector<16xf32>
      %get3A_172 = arith.index_cast %scan3A_132 : i32 to index
      %get3A_173 = arith.constant 32 : index
      %get3A_174 = tpu.vector_load %arg7[%get3A_172, %get3A_173] {strides = array<i32>} : memref<200x128xf32, #tpu.memory_space<vmem>>, vector<1x16xf32>,
      %get3A_175 = vector.shape_cast %get3A_174 : vector<1x16xf32> to vector<16xf32>
      %add3A_176 = arith.addf %mul3A_171, %get3A_175 : vector<16xf32>
      %swap3A_177 = arith.index_cast %scan3A_132 : i32 to index
      %swap3A_178 = arith.constant 32 : index
      %swap3A_179 = tpu.vector_load %arg9[%swap3A_177, %swap3A_178] {strides = array<i32>} : memref<200x128xf32, #tpu.memory_space<vmem>>, vector<1x16xf32>,
      %swap3A_180 = vector.shape_cast %swap3A_179 : vector<1x16xf32> to vector<16xf32>
      %swap3A_181 = vector.shape_cast %add3A_176 : vector<16xf32> to vector<1x16xf32>
      tpu.vector_store %arg9[%swap3A_177, %swap3A_178], %swap3A_181 {strides = array<i32>} : memref<200x128xf32, #tpu.memory_space<vmem>>, vector<1x16xf32>,
      %get3A_182 = arith.index_cast %scan3A_132 : i32 to index
      %get3A_183 = arith.constant 48 : index
      %get3A_184 = tpu.vector_load %arg9[%get3A_182, %get3A_183] {strides = array<i32>} : memref<200x128xf32, #tpu.memory_space<vmem>>, vector<1x16xf32>,
      %get3A_185 = vector.shape_cast %get3A_184 : vector<1x16xf32> to vector<16xf32>
      %mul3A_186 = arith.constant 11.3137083 : f32
      %mul3A_187 = vector.broadcast %mul3A_186 : f32 to vector<16xf32>
      %mul3A_188 = arith.mulf %get3A_185, %mul3A_187 : vector<16xf32>
      %get3A_189 = arith.index_cast %scan3A_132 : i32 to index
      %get3A_190 = arith.constant 48 : index
      %get3A_191 = tpu.vector_load %arg7[%get3A_189, %get3A_190] {strides = array<i32>} : memref<200x128xf32, #tpu.memory_space<vmem>>, vector<1x16xf32>,
      %get3A_192 = vector.shape_cast %get3A_191 : vector<1x16xf32> to vector<16xf32>
      %add3A_193 = arith.addf %mul3A_188, %get3A_192 : vector<16xf32>
      %swap3A_194 = arith.index_cast %scan3A_132 : i32 to index
      %swap3A_195 = arith.constant 48 : index
      %swap3A_196 = tpu.vector_load %arg9[%swap3A_194, %swap3A_195] {strides = array<i32>} : memref<200x128xf32, #tpu.memory_space<vmem>>, vector<1x16xf32>,
      %swap3A_197 = vector.shape_cast %swap3A_196 : vector<1x16xf32> to vector<16xf32>
      %swap3A_198 = vector.shape_cast %add3A_193 : vector<16xf32> to vector<1x16xf32>
      tpu.vector_store %arg9[%swap3A_194, %swap3A_195], %swap3A_198 {strides = array<i32>} : memref<200x128xf32, #tpu.memory_space<vmem>>, vector<1x16xf32>,
      %get3A_199 = arith.index_cast %scan3A_132 : i32 to index
      %get3A_200 = arith.constant 64 : index
      %get3A_201 = tpu.vector_load %arg9[%get3A_199, %get3A_200] {strides = array<i32>} : memref<200x128xf32, #tpu.memory_space<vmem>>, vector<1x16xf32>,
      %get3A_202 = vector.shape_cast %get3A_201 : vector<1x16xf32> to vector<16xf32>
      %mul3A_203 = arith.constant 11.3137083 : f32
      %mul3A_204 = vector.broadcast %mul3A_203 : f32 to vector<16xf32>
      %mul3A_205 = arith.mulf %get3A_202, %mul3A_204 : vector<16xf32>
      %get3A_206 = arith.index_cast %scan3A_132 : i32 to index
      %get3A_207 = arith.constant 64 : index
      %get3A_208 = tpu.vector_load %arg7[%get3A_206, %get3A_207] {strides = array<i32>} : memref<200x128xf32, #tpu.memory_space<vmem>>, vector<1x16xf32>,
      %get3A_209 = vector.shape_cast %get3A_208 : vector<1x16xf32> to vector<16xf32>
      %add3A_210 = arith.addf %mul3A_205, %get3A_209 : vector<16xf32>
      %swap3A_211 = arith.index_cast %scan3A_132 : i32 to index
      %swap3A_212 = arith.constant 64 : index
      %swap3A_213 = tpu.vector_load %arg9[%swap3A_211, %swap3A_212] {strides = array<i32>} : memref<200x128xf32, #tpu.memory_space<vmem>>, vector<1x16xf32>,
      %swap3A_214 = vector.shape_cast %swap3A_213 : vector<1x16xf32> to vector<16xf32>
      %swap3A_215 = vector.shape_cast %add3A_210 : vector<16xf32> to vector<1x16xf32>
      tpu.vector_store %arg9[%swap3A_211, %swap3A_212], %swap3A_215 {strides = array<i32>} : memref<200x128xf32, #tpu.memory_space<vmem>>, vector<1x16xf32>,
      %get3A_216 = arith.index_cast %scan3A_132 : i32 to index
      %get3A_217 = arith.constant 80 : index
      %get3A_218 = tpu.vector_load %arg9[%get3A_216, %get3A_217] {strides = array<i32>} : memref<200x128xf32, #tpu.memory_space<vmem>>, vector<1x16xf32>,
      %get3A_219 = vector.shape_cast %get3A_218 : vector<1x16xf32> to vector<16xf32>
      %mul3A_220 = arith.constant 11.3137083 : f32
      %mul3A_221 = vector.broadcast %mul3A_220 : f32 to vector<16xf32>
      %mul3A_222 = arith.mulf %get3A_219, %mul3A_221 : vector<16xf32>
      %get3A_223 = arith.index_cast %scan3A_132 : i32 to index
      %get3A_224 = arith.constant 80 : index
      %get3A_225 = tpu.vector_load %arg7[%get3A_223, %get3A_224] {strides = array<i32>} : memref<200x128xf32, #tpu.memory_space<vmem>>, vector<1x16xf32>,
      %get3A_226 = vector.shape_cast %get3A_225 : vector<1x16xf32> to vector<16xf32>
      %add3A_227 = arith.addf %mul3A_222, %get3A_226 : vector<16xf32>
      %swap3A_228 = arith.index_cast %scan3A_132 : i32 to index
      %swap3A_229 = arith.constant 80 : index
      %swap3A_230 = tpu.vector_load %arg9[%swap3A_228, %swap3A_229] {strides = array<i32>} : memref<200x128xf32, #tpu.memory_space<vmem>>, vector<1x16xf32>,
      %swap3A_231 = vector.shape_cast %swap3A_230 : vector<1x16xf32> to vector<16xf32>
      %swap3A_232 = vector.shape_cast %add3A_227 : vector<16xf32> to vector<1x16xf32>
      tpu.vector_store %arg9[%swap3A_228, %swap3A_229], %swap3A_232 {strides = array<i32>} : memref<200x128xf32, #tpu.memory_space<vmem>>, vector<1x16xf32>,
      %get3A_233 = arith.index_cast %scan3A_132 : i32 to index
      %get3A_234 = arith.constant 96 : index
      %get3A_235 = tpu.vector_load %arg9[%get3A_233, %get3A_234] {strides = array<i32>} : memref<200x128xf32, #tpu.memory_space<vmem>>, vector<1x16xf32>,
      %get3A_236 = vector.shape_cast %get3A_235 : vector<1x16xf32> to vector<16xf32>
      %mul3A_237 = arith.constant 11.3137083 : f32
      %mul3A_238 = vector.broadcast %mul3A_237 : f32 to vector<16xf32>
      %mul3A_239 = arith.mulf %get3A_236, %mul3A_238 : vector<16xf32>
      %get3A_240 = arith.index_cast %scan3A_132 : i32 to index
      %get3A_241 = arith.constant 96 : index
      %get3A_242 = tpu.vector_load %arg7[%get3A_240, %get3A_241] {strides = array<i32>} : memref<200x128xf32, #tpu.memory_space<vmem>>, vector<1x16xf32>,
      %get3A_243 = vector.shape_cast %get3A_242 : vector<1x16xf32> to vector<16xf32>
      %add3A_244 = arith.addf %mul3A_239, %get3A_243 : vector<16xf32>
      %swap3A_245 = arith.index_cast %scan3A_132 : i32 to index
      %swap3A_246 = arith.constant 96 : index
      %swap3A_247 = tpu.vector_load %arg9[%swap3A_245, %swap3A_246] {strides = array<i32>} : memref<200x128xf32, #tpu.memory_space<vmem>>, vector<1x16xf32>,
      %swap3A_248 = vector.shape_cast %swap3A_247 : vector<1x16xf32> to vector<16xf32>
      %swap3A_249 = vector.shape_cast %add3A_244 : vector<16xf32> to vector<1x16xf32>
      tpu.vector_store %arg9[%swap3A_245, %swap3A_246], %swap3A_249 {strides = array<i32>} : memref<200x128xf32, #tpu.memory_space<vmem>>, vector<1x16xf32>,
      %get3A_250 = arith.index_cast %scan3A_132 : i32 to index
      %get3A_251 = arith.constant 112 : index
      %get3A_252 = tpu.vector_load %arg9[%get3A_250, %get3A_251] {strides = array<i32>} : memref<200x128xf32, #tpu.memory_space<vmem>>, vector<1x16xf32>,
      %get3A_253 = vector.shape_cast %get3A_252 : vector<1x16xf32> to vector<16xf32>
      %mul3A_254 = arith.constant 11.3137083 : f32
      %mul3A_255 = vector.broadcast %mul3A_254 : f32 to vector<16xf32>
      %mul3A_256 = arith.mulf %get3A_253, %mul3A_255 : vector<16xf32>
      %get3A_257 = arith.index_cast %scan3A_132 : i32 to index
      %get3A_258 = arith.constant 112 : index
      %get3A_259 = tpu.vector_load %arg7[%get3A_257, %get3A_258] {strides = array<i32>} : memref<200x128xf32, #tpu.memory_space<vmem>>, vector<1x16xf32>,
      %get3A_260 = vector.shape_cast %get3A_259 : vector<1x16xf32> to vector<16xf32>
      %add3A_261 = arith.addf %mul3A_256, %get3A_260 : vector<16xf32>
      %swap3A_262 = arith.index_cast %scan3A_132 : i32 to index
      %swap3A_263 = arith.constant 112 : index
      %swap3A_264 = tpu.vector_load %arg9[%swap3A_262, %swap3A_263] {strides = array<i32>} : memref<200x128xf32, #tpu.memory_space<vmem>>, vector<1x16xf32>,
      %swap3A_265 = vector.shape_cast %swap3A_264 : vector<1x16xf32> to vector<16xf32>
      %swap3A_266 = vector.shape_cast %add3A_261 : vector<16xf32> to vector<1x16xf32>
      tpu.vector_store %arg9[%swap3A_262, %swap3A_263], %swap3A_266 {strides = array<i32>} : memref<200x128xf32, #tpu.memory_space<vmem>>, vector<1x16xf32>,
    }
    %scan3A_107 = arith.constant 200 : i32
    %add3A_108 = arith.constant 6200 : i32
    %add3A_109 = arith.addi %mul3A_2, %add3A_108 : i32
    %dma_start3A_110 = arith.constant 0 : i32
    %dma_start3A_111 = tpu.memref_slice %arg5[%add3A_109, %dma_start3A_110] : memref<204800x128xf32, #tpu.memory_space<hbm>> -> memref<200x128xf32, #tpu.memory_space<hbm>>
    %dma_start3A_112 = arith.constant 0 : i32
    %dma_start3A_113 = tpu.memref_slice %arg5[%add3A_109, %dma_start3A_112] : memref<204800x128xf32, #tpu.memory_space<hbm>> -> memref<200x128xf32, #tpu.memory_space<hbm>>
    tpu.enqueue_dma source(%arg9 : memref<200x128xf32, #tpu.memory_space<vmem>>) target(%dma_start3A_113 : memref<200x128xf32, #tpu.memory_space<hbm>>) target_semaphore(%arg15 : memref<!tpu.dma_semaphore, #tpu.memory_space<semaphore_mem>>)
    %dma_wait3A_114 = arith.constant 0 : i32
    %dma_wait3A_115 = arith.constant 0 : i32
    %dma_wait3A_116 = tpu.memref_slice %arg5[%dma_wait3A_114, %dma_wait3A_115] : memref<204800x128xf32, #tpu.memory_space<hbm>> -> memref<200x128xf32, #tpu.memory_space<hbm>>
    %dma_wait3A_117 = arith.constant 0 : i32
    %dma_wait3A_118 = arith.constant 0 : i32
    %dma_wait3A_119 = tpu.memref_slice %arg5[%dma_wait3A_117, %dma_wait3A_118] : memref<204800x128xf32, #tpu.memory_space<hbm>> -> memref<200x128xf32, #tpu.memory_space<hbm>>
    tpu.wait_dma2 semaphore(%arg14 : memref<!tpu.dma_semaphore, #tpu.memory_space<semaphore_mem>>) src(%arg8 : memref<200x128xf32, #tpu.memory_space<vmem>>) dst(%dma_wait3A_119 : memref<200x128xf32, #tpu.memory_space<hbm>>)
    %dma_wait3A_120 = arith.constant 0 : i32
    %dma_wait3A_121 = arith.constant 0 : i32
    %dma_wait3A_122 = tpu.memref_slice %arg5[%dma_wait3A_120, %dma_wait3A_121] : memref<204800x128xf32, #tpu.memory_space<hbm>> -> memref<200x128xf32, #tpu.memory_space<hbm>>
    %dma_wait3A_123 = arith.constant 0 : i32
    %dma_wait3A_124 = arith.constant 0 : i32
    %dma_wait3A_125 = tpu.memref_slice %arg5[%dma_wait3A_123, %dma_wait3A_124] : memref<204800x128xf32, #tpu.memory_space<hbm>> -> memref<200x128xf32, #tpu.memory_space<hbm>>
    tpu.wait_dma2 semaphore(%arg15 : memref<!tpu.dma_semaphore, #tpu.memory_space<semaphore_mem>>) src(%arg9 : memref<200x128xf32, #tpu.memory_space<vmem>>) dst(%dma_wait3A_125 : memref<200x128xf32, #tpu.memory_space<hbm>>)
    %dma_wait3A_126 = arith.constant 0 : i32
    %dma_wait3A_127 = arith.constant 0 : i32
    %dma_wait3A_128 = tpu.memref_slice %arg5[%dma_wait3A_126, %dma_wait3A_127] : memref<204800x128xf32, #tpu.memory_space<hbm>> -> memref<200x128xf32, #tpu.memory_space<hbm>>
    %dma_wait3A_129 = arith.constant 0 : i32
    %dma_wait3A_130 = arith.constant 0 : i32
    %dma_wait3A_131 = tpu.memref_slice %arg5[%dma_wait3A_129, %dma_wait3A_130] : memref<204800x128xf32, #tpu.memory_space<hbm>> -> memref<200x128xf32, #tpu.memory_space<hbm>>
    tpu.wait_dma2 semaphore(%arg16 : memref<!tpu.dma_semaphore, #tpu.memory_space<semaphore_mem>>) src(%arg10 : memref<200x128xf32, #tpu.memory_space<vmem>>) dst(%dma_wait3A_131 : memref<200x128xf32, #tpu.memory_space<hbm>>)
    return
  }
}

</mosaic_0001>

<sc_bundles>
// kernel: kernel.3.cloned.1.call-start
scs
__scs_entry_jumppad:
0x0: {  	(pc) =	sbr.rel $0x88, $3  }
0x1: {  	(tag) =	ssettag $0x0;
	lr =	simm.s32 $0x1  }
0x2: {  	[smem:$0x3F9F] =	sst lr;
	_ =	strace $0xD0000000  }
0x3: {  	_ = 	snop  }
0x4: {  	_ = 	snop  }
0x5: {  	_ = 	snop  }
0x6: {  	_ = 	snop  }
0x7: {  	_ = 	snop  }
__scs_overlays_trampoline_lowered:
0x8: {  	[smem:$0x3FAE] =	sst s0  }
0x9: {  	[smem:$0x3FAF] =	sst s1  }
0xa: {  	[smem:$0x3FB0] =	sst s2  }
0xb: {  	[smem:$0x3FB1] =	sst s3  }
0xc: {  	[smem:$0x3FB2] =	sst s4  }
0xd: {  	[smem:$0x3FB3] =	sst s5  }
0xe: {  	[smem:$0x3FB4] =	sst s6  }
0xf: {  	[smem:$0x3FB5] =	sst s7  }
0x10: {  	[smem:$0x3FB6] =	sst s8  }
0x11: {  	[smem:$0x3FB7] =	sst s9;
	s0 =	simm.s32 @!p0 $0x0  }
0x12: {  	s1 =	sld [smem:$0x3F9D];
	s0 =	simm.s32 @p0 $0x1  }
0x13: {  	[smem:$0x3FB8] =	sst s0;
	s0 =	simm.s32 @!p1 $0x0  }
0x14: {  	s2 =	sld [smem:$0x3F9C];
	s0 =	simm.s32 @p1 $0x1  }
0x15: {  	[smem:$0x3FB9] =	sst s0;
	s0 =	simm.s32 @!p2 $0x0  }
0x16: {  	s3 =	sld [smem:$0x3FDB];
	s0 =	simm.s32 @p2 $0x1  }
0x17: {  	s4 =	simm.s32 $0x1BF5;
	[smem:$0x3FBB] =	sst s0  }
0x18: {  	s0 =	sld [smem:$0x3F9E];
	_ =	swait.ge [sflag:s4], $0x0  }
0x19: {  	s7 =	sld [smem:$0x3F9F]  }
0x1a: {  	s8 =	sadd.s32 $0xFFFFE003, lr  }
0x1b: {  	s9 =	sadd.s32 $0xFFFFFEF7, lr;
	s5 =	simm.s32 $0xFFFFFFFF;
	p2 =	slt.u32 s8, $0xFFFFF086  }
0x1c: {  	p1 =	slt.u32 s9, $0xF7A;
	s5 =	simm.s32 @!p2 $0x0  }
0x1d: {  	s5 =	simm.s32 @p1 $0x1;
	p0 =	seq.s32 s7, s2  }
0x1e: {  	s7 =	smul.u32 @!p0 $0xF7A, s2;
	p2 =	seq.s32 @!p0 s5, $0x0  }
0x1f: {  	s9 =	smul.u32 $0xF7A, s1;
	s8 =	simm.s32 @!p0 $0x1BF5;
	p2 =	por !p2, p0  }
0x20: {  	[sflag:s8] =	ssyncset.s32 @!p0 $0xFFFFF086;
	s6 =	sadd.s32 @!p0 s3, s7;
	s7 =	simm.s32 @!p0 $0x108  }
0x21: {  	s3 =	sadd.s32 s3, s9;
	s6 =	sadd.s32 @!p0 $0x88, s6;
	s7 =	simm.s32 @p2 $0x1082  }
0x22: {  	[simem:s7], [sflag:s8] =	dma.local @!p0 [hbm:s6], $0xF7A  }
0x23: {  	s9 =	sor.u32 $0xD0000000, s2;
	s6 =	simm.s32 $0x108;
	_ =	swait.ge @!p0 [sflag:s8], $0x0  }
0x24: {  	s3 =	sadd.s32 $0x88, s3;
	s6 =	simm.s32 @!p1 $0x1082;
	[sflag:s4] =	ssyncset.s32 $0xFFFFF086  }
0x25: {  	[simem:s6], [sflag:s4] =	dma.local [hbm:s3], $0xF7A  }
0x26: {  	[smem:$0x3F9F] =	sst s1;
	(tag) =	ssettag s2;
	_ =	strace s9  }
0x27: {  	s1 =	sld [smem:$0x3FAF]  }
0x28: {  	s2 =	sld [smem:$0x3FB0]  }
0x29: {  	s4 =	sld [smem:$0x3FB2]  }
0x2a: {  	p0 =	seq.s32 s5, $0x0;
	s5 =	sld [smem:$0x3FB3]  }
0x2b: {  	s6 =	sld [smem:$0x3FB4]  }
0x2c: {  	s7 =	sld [smem:$0x3FB5]  }
0x2d: {  	s3 =	simm.s32 $0x108;
	s8 =	sld [smem:$0x3FB6]  }
0x2e: {  	s3 =	simm.s32 @!p0 $0x1082;
	s9 =	sld [smem:$0x3FB7]  }
0x2f: {  	lr =	sadd.s32 s0, s3;
	s0 =	sld [smem:$0x3FAE]  }
0x30: {  	s3 =	sld [smem:$0x3FB1]  }
0x31: {  	[smem:$0x3FBA] =	sst s10  }
0x32: {  	s10 =	sld [smem:$0x3FB8];
	_ =	sdelay $0x3  }
0x33: {  	p0 =	seq.s32 s10, $0x1;
	s10 =	sld [smem:$0x3FBA];
	_ =	sdelay $0x3  }
0x34: {  	[smem:$0x3FBA] =	sst s10  }
0x35: {  	s10 =	sld [smem:$0x3FB9];
	_ =	sdelay $0x3  }
0x36: {  	p1 =	seq.s32 s10, $0x1;
	s10 =	sld [smem:$0x3FBA];
	_ =	sdelay $0x3  }
0x37: {  	[smem:$0x3FBA] =	sst s10  }
0x38: {  	s10 =	sld [smem:$0x3FBB]  }
0x39: {  	_ = 	snop;
	(pc) =	sbr.ind lr, $3  }
0x3a: {  	_ = 	snop  }
0x3b: {  	_ = 	snop  }
0x3c: {  	p2 =	seq.s32 s10, $0x1;
	s10 =	sld [smem:$0x3FBA]  }
0x3d: {  	_ =	shalt  }
0x3e: {  	_ =	shalt  }
0x3f: {  	_ =	shalt  }
0x40: {  	_ =	shalt  }
0x41: {  	_ =	shalt  }
0x42: {  	_ =	shalt  }
0x43: {  	_ =	shalt  }
0x44: {  	_ =	shalt  }
0x45: {  	_ =	shalt  }
0x46: {  	_ =	shalt  }
0x47: {  	_ =	shalt  }
0x48: {  	_ =	shalt  }
0x49: {  	_ =	shalt  }
0x4a: {  	_ =	shalt  }
0x4b: {  	_ =	shalt  }
0x4c: {  	_ =	shalt  }
0x4d: {  	_ =	shalt  }
0x4e: {  	_ =	shalt  }
0x4f: {  	_ =	shalt  }
0x50: {  	_ =	shalt  }
0x51: {  	_ =	shalt  }
0x52: {  	_ =	shalt  }
0x53: {  	_ =	shalt  }
0x54: {  	_ =	shalt  }
0x55: {  	_ =	shalt  }
0x56: {  	_ =	shalt  }
0x57: {  	_ =	shalt  }
0x58: {  	_ =	shalt  }
0x59: {  	_ =	shalt  }
0x5a: {  	_ =	shalt  }
0x5b: {  	_ =	shalt  }
0x5c: {  	_ =	shalt  }
0x5d: {  	_ =	shalt  }
0x5e: {  	_ =	shalt  }
0x5f: {  	_ =	shalt  }
0x60: {  	_ =	shalt  }
0x61: {  	_ =	shalt  }
0x62: {  	_ =	shalt  }
0x63: {  	_ =	shalt  }
0x64: {  	_ =	shalt  }
0x65: {  	_ =	shalt  }
0x66: {  	_ =	shalt  }
0x67: {  	_ =	shalt  }
0x68: {  	_ =	shalt  }
0x69: {  	_ =	shalt  }
0x6a: {  	_ =	shalt  }
0x6b: {  	_ =	shalt  }
0x6c: {  	_ =	shalt  }
0x6d: {  	_ =	shalt  }
0x6e: {  	_ =	shalt  }
0x6f: {  	_ =	shalt  }
0x70: {  	_ =	shalt  }
0x71: {  	_ =	shalt  }
0x72: {  	_ =	shalt  }
0x73: {  	_ =	shalt  }
0x74: {  	_ =	shalt  }
0x75: {  	_ =	shalt  }
0x76: {  	_ =	shalt  }
0x77: {  	_ =	shalt  }
0x78: {  	_ =	shalt  }
0x79: {  	_ =	shalt  }
0x7a: {  	_ =	shalt  }
0x7b: {  	_ =	shalt  }
0x7c: {  	_ =	shalt  }
0x7d: {  	_ =	shalt  }
0x7e: {  	_ =	shalt  }
0x7f: {  	_ =	shalt  }
0x80: {  	_ =	shalt  }
0x81: {  	_ =	shalt  }
0x82: {  	_ =	shalt  }
0x83: {  	_ =	shalt  }
0x84: {  	_ =	shalt  }
0x85: {  	_ =	shalt  }
0x86: {  	_ =	shalt  }
0x87: {  	_ =	shalt  }
.Lfunc_end0:
.L_simem_size_0:
called_computation_lowered:
.L_overlay_start_0:
0x88: {  	s2 =	sld [smem:$0x3FD9]  }
0x89: {  	s3 =	sld [smem:$0x3FFE];
	_ =	sdelay $0x1  }
0x8a: {  	s1 =	srdreg.scid  }
0x8b: {  	s0 =	sand.u32 $0x1, s1  }
0x8c: {  	s17 =	sshll.u32 s0, $0xA;
	s2 =	sadd.s32 s3, s2  }
0x8d: {  	s2 =	sadd.s32 s2, s17  }
0x8e: {  	[smem:$0x3FC6] =	sst s2  }
0x8f: {  	_ = 	snop  }
0x90: {  	s2 =	sld [smem:$0x3FC8]  }
0x91: {  	s18 =	sld [smem:$0x3FD0];
	(tm) =	ssettm $0x1  }
0x92: {  	s4 =	sld [smem:$0x3FFB];
	_ =	sdelay $0x3  }
0x93: {  	_ =	strace s4  }
0x94: {  	s4 =	sld [smem:$0x3FFC];
	_ =	sdelay $0x3  }
0x95: {  	_ =	strace s4  }
0x96: {  	s4 =	sld [smem:$0x3FFD];
	_ =	sdelay $0x3  }
0x97: {  	_ =	strace s4  }
0x98: {  	_ =	strace $0x8FFFFFFF  }
0x99: {  	s19 =	sld [smem:$0x3FDB];
	_ =	sdelay $0x1  }
0x9a: {  	s5 =	simm.s32 $_scs_section_size  }
0x9b: {  	s6 =	simm.s32 $_size__tile_overlayer_lowered;
	s7 =	simm.s32 $_tile_overlayer_lowered  }
0x9c: {  	s22 =	simm.s32 $0x1BFF;
	s21 =	sshll.u32 s7, $0x1;
	s4 =	sadd.s32 s5, s19  }
0x9d: {  	s8 =	simm.s32 $0x0;
	s20 =	sshll.u32 s6, $0x1;
	s6 =	sadd.s32 s21, s4  }
0x9e: {  	[timem:s8], [sflag:s22] =	dma.local [hbm:s6], s20  }
0x9f: {  	_ =	swait.ge [sflag:s22], s20  }
0xa0: {  	s5 =	ssub.s32 $0x0, s20;
	[sflag:s22] =	ssyncset.done $0x0  }
0xa1: {  	[sflag:s22] =	ssyncadd.s32 s5;
	_ =	sdelay $0x1  }
0xa2: {  	s23 =	simm.s32 $0x1B8B  }
0xa3: {  	_ =	swait.ge [sflag:s23], $0x1  }
0xa4: {  	[sflag:s23] =	ssyncset.done $0x0  }
0xa5: {  	s25 =	simm.s32 $0x1B8E;
	s24 =	sld [smem:$0x3FFE];
	[sflag:s23] =	ssyncadd.s32 $0xFFFFFFFF  }
0xa6: {  	s26 =	simm.s32 $execute0_lowered;
	[smem:$0x3FD2] =	sst s25  }
0xa7: {  	s6 =	sshll.u32 s26, $0x1;
	_ =	strace $0x80000046;
	[dreg:$0x1] =	wrdreg $0xFFFFFFFF  }
0xa8: {  	s28 =	simm.s32 $_size_execute0_lowered;
	s4 =	sadd.s32 s4, s6;
	[dreg:$0x0] =	wrdreg $0x0  }
0xa9: {  	s6 =	sshll.u32 s28, $0x1;
	[dreg:$0x2] =	wrdreg s4  }
0xaa: {  	[dreg:$0x3] =	wrdreg s6  }
0xab: {  	[dreg:$0x4] =	wrdreg $0xC0  }
0xac: {  	_ =	task [dreg:s8], $0x5FFFF  }
0xad: {  	[dreg:$0x1] =	wrdreg $0xFFFFFFFF  }
0xae: {  	[dreg:$0x0] =	wrdreg $0x60  }
0xaf: {  	[dreg:$0x2] =	wrdreg s24  }
0xb0: {  	[dreg:$0x3] =	wrdreg s2  }
0xb1: {  	[dreg:$0x4] =	wrdreg s18  }
0xb2: {  	[dreg:$0x5] =	wrdreg $0x9  }
0xb3: {  	_ =	task.clear_ibuf [dreg:s8], $0x6FFFF;
	_ =	strace $0x90000046  }
0xb4: {  	s29 =	simm.s32 $0x9;
	_ =	strace $0x80000048  }
0xb5: {  	_ =	swait.ge [sflag:s29], $0x1  }
0xb6: {  	[sflag:s29] =	ssyncadd.s32 $0xFFFFFFFF  }
0xb7: {  	_ =	strace $0x90000048  }
0xb8: {  	_ =	sfence  }
0xb9: {  	s30 =	sld [smem:$0x0];
	_ =	sdelay $0x2  }
0xba: {  	s31 =	sshll.u32 s1, $0xD;
	s1 =	sshrl.u32 s1, $0x2  }
0xbb: {  	s3 =	sand.u32 $0x4000, s31;
	s1 =	sadd.s32 s1, s30  }
0xbc: {  	s0 =	sor.u32 s3, s0;
	s1 =	sshll.u32 s1, $0x11  }
0xbd: {  	s0 =	sor.u32 s1, s0  }
0xbe: {  	s0 =	sadd.s32 $0x8F2B, s0  }
0xbf: {  	[sflag:s0] =	ssyncadd.remote.s32 $0x1  }
0xc0: {  	_ =	sfence.sel $0xFFFF  }
0xc1: {  	[dreg:$0x0] =	wrdreg $0xFFFFFFFF;
	(pc) =	sbr.abs _section_cstart, $3  }
0xc2: {  	[dreg:$0x1] =	wrdreg $0xFFFFFFFF  }
0xc3: {  	_ =	task.clear_ibuf [dreg:s8], $0x2FFFF;
	_ =	strace $0x9FFFFFFF  }
0xc4: {  	(tm) =	ssettm $0x7FFFFFFF  }
0xc5: {  	_ =	shalt  }
tec
execute0_lowered:
.L_overlay_start_1:
0x0: {  	(tag) =	ssettag $0x1  }
0x1: {  	s0 =	rddreg [dreg:$0x0]  }
0x2: {  	s2 =	rddreg [dreg:$0x1];
	s1 =	srdreg.scid  }
0x3: {  	s4 =	stileid.u32;
	s3 =	rddreg [dreg:$0x2];
	s14 =	simm.s32 $0x7  }
0x4: {  	s15 =	simm.s32 $0x68;
	s16 =	simm.s32 $0x7D00;
	s17 =	simm.s32 $0x60  }
0x5: {  	s18 =	simm.s32 $0xB100;
	s20 =	simm.s32 $0xE100;
	s22 =	simm.s32 $0x11500  }
0x6: {  	s23 =	simm.s32 $0x8;
	s1 =	sand.u32 $0x1, s1;
	s5 =	sshll.u32 s4, $0x1  }
0x7: {  	s29 =	simm.s32 $0x17900;
	s30 =	simm.s32 $0x2;
	s6 =	sor.u32 s1, s5  }
0x8: {  	s31 =	simm.s32 $0x4;
	s13 =	simm.s32 $0x6;
	s5 =	smul.u32 $0x1900, s6  }
0x9: {  	s4 =	simm.s32 $0x0;
	s1 =	ssub.s32 $0x2, s1;
	s7 =	smul.u32 $0x19000, s6  }
0xa: {  	[smem:$0x7FF] =	sst s4;
	s9 =	sshrl.u32 s1, $0x1;
	s6 =	smul.u32 $0xC8000, s6  }
0xb: {  	s19 =	simm.s32 $0x0;
	_ =	strace $0x80000047;
	s24 =	ssub.s32 s1, s9  }
0xc: {  	s8 =	sshrl.u32 s5, $0x3;
	s26 =	sadd.s32 s3, s7;
	s28 =	sshrl.u32 s6, $0x3  }
0xd: {  	s9 =	sor.u32 $0xC8, s5;
	s10 =	sadd.s32 $0x190, s5;
	s12 =	smax.u32 s24, $0x1  }
0xe: {  	s24 =	simm.s32 $0x1;
	s8 =	sadd.s32 s8, s0;
	s0 =	sadd.s32 $0x600, s0  }
0xf: {  	[dreg:$0x6] =	wrdreg s26;
	s1 =	sadd.s32 s3, s28;
	s26 =	simm.s32 $0x14500  }
0x10: {  	[dreg:$0x4] =	wrdreg s0;
	s25 =	sadd.s32 $0x1400, s8;
	s11 =	sadd.s32 $0x18380, s1  }
0x11: {  	s1 =	simm.s32 $0x3;
	s0 =	simm.s32 $0x5;
	[dreg:$0x5] =	wrdreg s25  }
.LBB2_1:
0x12: {  	s6 =	rddreg [dreg:$0x5]  }
0x13: {  	[tilespmem:s4], [sflag:$0x7] =	stream.linear.gather [hbm4b:s6+s4], $0x1900, $0x38;
	[tilespmem:$0x1A900] =	vst v63  }
0x14: {  	s21 =	rddreg [dreg:$0x4];
	s7 =	simm.s32 $0x1900  }
0x15: {  	[tilespmem:s7], [sflag:$0x8] =	stream.linear.gather [hbm4b:s21+s4], $0x6400, $0x38;
	[tilespmem:$0x1A900] =	vst v63  }
0x16: {  	_ =	swait.ge [sflag:s14], $0x1900  }
0x17: {  	[sflag:s14] =	ssyncset.done $0x0  }
0x18: {  	[sflag:s14] =	ssyncadd.s32 $0xFFFFE700  }
0x19: {  	[tilespmem:s16], [sflag:$0x1] =	stream.indirect.gather [hbm4b:s2+s15], $0x80, s4, s15, $0xb8;
	[tilespmem:$0x1A900] =	vst v63  }
0x1a: {  	_ = 	snop  }
0x1b: {  	[tilespmem:s18], [sflag:$0x1] =	stream.indirect.gather [hbm4b:s2+s17], $0x80, s15, s17, $0xb8;
	[tilespmem:$0x1A900] =	vst v63  }
0x1c: {  	s25 =	simm.s32 $0xC8  }
0x1d: {  	[tilespmem:s20], [sflag:$0x2] =	stream.indirect.gather [hbm4b:s2+s15], $0x80, s25, s15, $0xb8;
	[tilespmem:$0x1A900] =	vst v63  }
0x1e: {  	s28 =	simm.s32 $0x130  }
0x1f: {  	[tilespmem:s22], [sflag:$0x2] =	stream.indirect.gather [hbm4b:s2+s17], $0x80, s28, s17, $0xb8;
	[tilespmem:$0x1A900] =	vst v63  }
0x20: {  	_ =	swait.ge [sflag:s23], $0x6400  }
0x21: {  	[sflag:s23] =	ssyncset.done $0x0  }
0x22: {  	[sflag:s23] =	ssyncadd.s32 $0xFFFF9C00  }
0x23: {  	_ =	swait.ge [sflag:s24], $0x3400  }
0x24: {  	[sflag:s24] =	ssyncset.done $0x0  }
0x25: {  	[sflag:s24] =	ssyncadd.s32 $0xFFFFCC00  }
0x26: {  	_ =	swait.ge [sflag:s24], $0x3000  }
0x27: {  	[sflag:s24] =	ssyncset.done $0x0  }
0x28: {  	s6 =	simm.s32 $0x0;
	[sflag:s24] =	ssyncadd.s32 $0xFFFFD000  }
0x29: {  	v5 =	vld [tilespmem:s6+$0x1900]  }
0x2a: {  	v4 =	vld [tilespmem:s6+$0x1910]  }
0x2b: {  	v3 =	vld [tilespmem:s6+$0x1920]  }
0x2c: {  	v2 =	vld [tilespmem:s6+$0x1930]  }
0x2d: {  	v1 =	vld [tilespmem:s6+$0x1940]  }
0x2e: {  	v0 =	vld [tilespmem:s6+$0x1950]  }
0x2f: {  	v6 =	vld [tilespmem:s6+$0x7D00]  }
0x30: {  	v11 =	vld [tilespmem:s6+$0x7D10]  }
0x31: {  	v10 =	vld [tilespmem:s6+$0x7D20]  }
0x32: {  	v9 =	vld [tilespmem:s6+$0x7D30]  }
0x33: {  	v8 =	vld [tilespmem:s6+$0x7D40]  }
0x34: {  	v7 =	vld [tilespmem:s6+$0x7D50];
	v12 =	vmul.f32 $1.131370830e+01, v6  }
0x35: {  	s21 =	simm.s32 $0x200;
	v11 =	vmul.f32 $1.131370830e+01, v11;
	v6 =	vld [tilespmem:s6+$0x7D60]  }
.LBB2_2:
0x36: {  	p0 =	sne.s32 s21, $0x18E00;
	v5 =	vadd.f32 v5, v12;
	v10 =	vmul.f32 $1.131370830e+01, v10;
	v12 =	vld [tilespmem:s6+$0x7D70]  }
0x37: {  	v4 =	vadd.f32 v4, v11;
	v9 =	vmul.f32 $1.131370830e+01, v9;
	v11 =	vld [tilespmem:s6+$0x1960]  }
0x38: {  	s7 =	sshra.s32 s21, $0x2;
	[tilespmem:s6+$0x7D00] =	vst v5;
	v3 =	vadd.f32 v3, v10;
	v8 =	vmul.f32 $1.131370830e+01, v8;
	v10 =	vld [tilespmem:s6+$0x1970]  }
0x39: {  	v5 =	vld [tilespmem:s7+$0x1900];
	[tilespmem:s6+$0x7D10] =	vst v4;
	v2 =	vadd.f32 v2, v9;
	v7 =	vmul.f32 $1.131370830e+01, v7  }
0x3a: {  	v4 =	vld [tilespmem:s7+$0x1910];
	[tilespmem:s6+$0x7D20] =	vst v3;
	v1 =	vadd.f32 v1, v8;
	v6 =	vmul.f32 $1.131370830e+01, v6  }
0x3b: {  	v3 =	vld [tilespmem:s7+$0x1920];
	[tilespmem:s6+$0x7D30] =	vst v2;
	v0 =	vadd.f32 v0, v7;
	v7 =	vmul.f32 $1.131370830e+01, v12  }
0x3c: {  	v2 =	vld [tilespmem:s7+$0x1930];
	[tilespmem:s6+$0x7D40] =	vst v1;
	v6 =	vadd.f32 v11, v6  }
0x3d: {  	v1 =	vld [tilespmem:s7+$0x1940];
	[tilespmem:s6+$0x7D50] =	vst v0;
	v7 =	vadd.f32 v10, v7  }
0x3e: {  	v0 =	vld [tilespmem:s7+$0x1950];
	[tilespmem:s6+$0x7D60] =	vst v6  }
0x3f: {  	v6 =	vld [tilespmem:s7+$0x7D00];
	[tilespmem:s6+$0x7D70] =	vst v7;
	s6 =	smov.u32 s7  }
0x40: {  	v11 =	vld [tilespmem:s6+$0x7D10]  }
.Ltmp0:
0x41: {  	v10 =	vld [tilespmem:s6+$0x7D20];
	(pc) =	sbr.rel @p0 .LBB2_2-.Ltmp0, $4  }
0x42: {  	v9 =	vld [tilespmem:s6+$0x7D30]  }
0x43: {  	v8 =	vld [tilespmem:s6+$0x7D40]  }
0x44: {  	v12 =	vmul.f32 $1.131370830e+01, v6;
	v7 =	vld [tilespmem:s6+$0x7D50]  }
0x45: {  	s21 =	sadd.s32 $0x200, s21;
	v11 =	vmul.f32 $1.131370830e+01, v11;
	v6 =	vld [tilespmem:s6+$0x7D60]  }
0x46: {  	v5 =	vadd.f32 v5, v12;
	v56 =	vld [tilespmem:s6+$0x7D70];
	v10 =	vmul.f32 $1.131370830e+01, v10  }
0x47: {  	v13 =	vld [tilespmem:s6+$0x1960];
	v4 =	vadd.f32 v4, v11;
	v9 =	vmul.f32 $1.131370830e+01, v9  }
0x48: {  	v58 =	vld [tilespmem:s6+$0x1970];
	[tilespmem:s6+$0x7D00] =	vst v5;
	v3 =	vadd.f32 v3, v10;
	v57 =	vmul.f32 $1.131370830e+01, v8  }
0x49: {  	[tilespmem:s6+$0x7D10] =	vst v4;
	v2 =	vadd.f32 v2, v9;
	v59 =	vmul.f32 $1.131370830e+01, v7  }
0x4a: {  	[tilespmem:s6+$0x7D20] =	vst v3;
	v1 =	vadd.f32 v1, v57;
	v60 =	vmul.f32 $1.131370830e+01, v6  }
0x4b: {  	[tilespmem:s6+$0x7D30] =	vst v2;
	v0 =	vadd.f32 v0, v59;
	v61 =	vmul.f32 $1.131370830e+01, v56  }
0x4c: {  	[tilespmem:s6+$0x7D40] =	vst v1;
	v62 =	vadd.f32 v13, v60  }
0x4d: {  	[tilespmem:s6+$0x7D50] =	vst v0;
	v63 =	vadd.f32 v58, v61  }
0x4e: {  	[tilespmem:s6+$0x7D60] =	vst v62  }
0x4f: {  	s21 =	simm.s32 $0x0;
	s8 =	rddreg [dreg:$0x6];
	[tilespmem:s6+$0x7D70] =	vst v63  }
0x50: {  	[hbm4b:s8+s21] =	stream.linear.scatter [tilespmem:s16], [sflag:$0x4], $0x6400, $0x38;
	[tilespmem:$0x1A900] =	vst v63  }
0x51: {  	s25 =	simm.s32 $0x190  }
0x52: {  	[tilespmem:s26], [sflag:$0x3] =	stream.indirect.gather [hbm4b:s2+s15], $0x80, s25, s15, $0xb8;
	[tilespmem:$0x1A900] =	vst v63  }
0x53: {  	s28 =	simm.s32 $0x1F8  }
0x54: {  	[tilespmem:s29], [sflag:$0x3] =	stream.indirect.gather [hbm4b:s2+s17], $0x80, s28, s17, $0xb8;
	[tilespmem:$0x1A900] =	vst v63  }
.LBB2_4:
0x55: {  	_ =	swait.ge [sflag:s30], $0x3400  }
0x56: {  	[sflag:s30] =	ssyncset.done $0x0  }
0x57: {  	[sflag:s30] =	ssyncadd.s32 $0xFFFFCC00  }
0x58: {  	_ =	swait.ge [sflag:s30], $0x3000  }
0x59: {  	[sflag:s30] =	ssyncset.done $0x0  }
0x5a: {  	s28 =	simm.s32 $0x0;
	[sflag:s30] =	ssyncadd.s32 $0xFFFFD000  }
0x5b: {  	v5 =	vld [tilespmem:s28+$0x1900]  }
0x5c: {  	v4 =	vld [tilespmem:s28+$0x1910]  }
0x5d: {  	v3 =	vld [tilespmem:s28+$0x1920]  }
0x5e: {  	v2 =	vld [tilespmem:s28+$0x1930]  }
0x5f: {  	v1 =	vld [tilespmem:s28+$0x1940]  }
0x60: {  	v0 =	vld [tilespmem:s28+$0x1950]  }
0x61: {  	v6 =	vld [tilespmem:s28+$0xE100]  }
0x62: {  	v11 =	vld [tilespmem:s28+$0xE110]  }
0x63: {  	v10 =	vld [tilespmem:s28+$0xE120]  }
0x64: {  	v9 =	vld [tilespmem:s28+$0xE130]  }
0x65: {  	v8 =	vld [tilespmem:s28+$0xE140]  }
0x66: {  	v7 =	vld [tilespmem:s28+$0xE150];
	v12 =	vmul.f32 $1.131370830e+01, v6  }
0x67: {  	s6 =	simm.s32 $0x200;
	v11 =	vmul.f32 $1.131370830e+01, v11;
	v6 =	vld [tilespmem:s28+$0xE160]  }
.LBB2_5:
0x68: {  	p0 =	sne.s32 s6, $0x18E00;
	v5 =	vadd.f32 v5, v12;
	v10 =	vmul.f32 $1.131370830e+01, v10;
	v12 =	vld [tilespmem:s28+$0xE170]  }
0x69: {  	v4 =	vadd.f32 v4, v11;
	v9 =	vmul.f32 $1.131370830e+01, v9;
	v11 =	vld [tilespmem:s28+$0x1960]  }
0x6a: {  	s7 =	sshra.s32 s6, $0x2;
	[tilespmem:s28+$0xE100] =	vst v5;
	v3 =	vadd.f32 v3, v10;
	v8 =	vmul.f32 $1.131370830e+01, v8;
	v10 =	vld [tilespmem:s28+$0x1970]  }
0x6b: {  	v5 =	vld [tilespmem:s7+$0x1900];
	[tilespmem:s28+$0xE110] =	vst v4;
	v2 =	vadd.f32 v2, v9;
	v7 =	vmul.f32 $1.131370830e+01, v7  }
0x6c: {  	v4 =	vld [tilespmem:s7+$0x1910];
	[tilespmem:s28+$0xE120] =	vst v3;
	v1 =	vadd.f32 v1, v8;
	v6 =	vmul.f32 $1.131370830e+01, v6  }
0x6d: {  	v3 =	vld [tilespmem:s7+$0x1920];
	[tilespmem:s28+$0xE130] =	vst v2;
	v0 =	vadd.f32 v0, v7;
	v7 =	vmul.f32 $1.131370830e+01, v12  }
0x6e: {  	v2 =	vld [tilespmem:s7+$0x1930];
	[tilespmem:s28+$0xE140] =	vst v1;
	v6 =	vadd.f32 v11, v6  }
0x6f: {  	v1 =	vld [tilespmem:s7+$0x1940];
	[tilespmem:s28+$0xE150] =	vst v0;
	v7 =	vadd.f32 v10, v7  }
0x70: {  	v0 =	vld [tilespmem:s7+$0x1950];
	[tilespmem:s28+$0xE160] =	vst v6  }
0x71: {  	v6 =	vld [tilespmem:s7+$0xE100];
	[tilespmem:s28+$0xE170] =	vst v7;
	s28 =	smov.u32 s7  }
0x72: {  	v11 =	vld [tilespmem:s28+$0xE110]  }
.Ltmp1:
0x73: {  	v10 =	vld [tilespmem:s28+$0xE120];
	(pc) =	sbr.rel @p0 .LBB2_5-.Ltmp1, $4  }
0x74: {  	v9 =	vld [tilespmem:s28+$0xE130]  }
0x75: {  	v8 =	vld [tilespmem:s28+$0xE140]  }
0x76: {  	v12 =	vmul.f32 $1.131370830e+01, v6;
	v7 =	vld [tilespmem:s28+$0xE150]  }
0x77: {  	s6 =	sadd.s32 $0x200, s6;
	v11 =	vmul.f32 $1.131370830e+01, v11;
	v6 =	vld [tilespmem:s28+$0xE160]  }
0x78: {  	v5 =	vadd.f32 v5, v12;
	v12 =	vld [tilespmem:s28+$0xE170];
	v10 =	vmul.f32 $1.131370830e+01, v10  }
0x79: {  	v13 =	vld [tilespmem:s28+$0x1960];
	v4 =	vadd.f32 v4, v11;
	v9 =	vmul.f32 $1.131370830e+01, v9  }
0x7a: {  	[tilespmem:s28+$0xE100] =	vst v5;
	v3 =	vadd.f32 v3, v10;
	v5 =	vmul.f32 $1.131370830e+01, v8;
	v8 =	vld [tilespmem:s28+$0x1970]  }
0x7b: {  	[tilespmem:s28+$0xE110] =	vst v4;
	v2 =	vadd.f32 v2, v9;
	v4 =	vmul.f32 $1.131370830e+01, v7  }
0x7c: {  	[tilespmem:s28+$0xE120] =	vst v3;
	v1 =	vadd.f32 v1, v5;
	v3 =	vmul.f32 $1.131370830e+01, v6  }
0x7d: {  	s25 =	smul.u32 $0x258, s21;
	[tilespmem:s28+$0xE130] =	vst v2;
	v0 =	vadd.f32 v0, v4;
	v2 =	vmul.f32 $1.131370830e+01, v12  }
0x7e: {  	[tilespmem:s28+$0xE140] =	vst v1;
	v1 =	vadd.f32 v13, v3  }
0x7f: {  	s6 =	sadd.s32 s25, s9;
	[tilespmem:s28+$0xE150] =	vst v0;
	v0 =	vadd.f32 v8, v2  }
0x80: {  	s6 =	sshll.u32 s6, $0x4;
	[tilespmem:s28+$0xE160] =	vst v1  }
0x81: {  	s7 =	simm.s32 $0x0;
	s6 =	sadd.s32 s3, s6;
	[tilespmem:s28+$0xE170] =	vst v0  }
0x82: {  	[hbm4b:s6+s7] =	stream.linear.scatter [tilespmem:s20], [sflag:$0x5], $0x6400, $0x38;
	[tilespmem:$0x1A900] =	vst v63  }
0x83: {  	_ =	swait.ge [sflag:s31], $0x6400  }
0x84: {  	[sflag:s31] =	ssyncset.done $0x0  }
0x85: {  	s28 =	sadd.s32 $0x258, s25;
	[sflag:s31] =	ssyncadd.s32 $0xFFFF9C00  }
0x86: {  	[tilespmem:s16], [sflag:$0x1] =	stream.indirect.gather [hbm4b:s2+s15], $0x80, s28, s15, $0xb8;
	[tilespmem:$0x1A900] =	vst v63  }
0x87: {  	s8 =	sadd.s32 $0x2C0, s25  }
0x88: {  	[tilespmem:s18], [sflag:$0x1] =	stream.indirect.gather [hbm4b:s2+s17], $0x80, s8, s17, $0xb8;
	[tilespmem:$0x1A900] =	vst v63  }
0x89: {  	_ =	swait.ge [sflag:s1], $0x3400  }
0x8a: {  	[sflag:s1] =	ssyncset.done $0x0  }
0x8b: {  	[sflag:s1] =	ssyncadd.s32 $0xFFFFCC00  }
0x8c: {  	_ =	swait.ge [sflag:s1], $0x3000  }
0x8d: {  	[sflag:s1] =	ssyncset.done $0x0  }
0x8e: {  	s6 =	simm.s32 $0x0;
	[sflag:s1] =	ssyncadd.s32 $0xFFFFD000  }
0x8f: {  	v5 =	vld [tilespmem:s6+$0x1900]  }
0x90: {  	v4 =	vld [tilespmem:s6+$0x1910]  }
0x91: {  	v3 =	vld [tilespmem:s6+$0x1920]  }
0x92: {  	v2 =	vld [tilespmem:s6+$0x1930]  }
0x93: {  	v1 =	vld [tilespmem:s6+$0x1940]  }
0x94: {  	v0 =	vld [tilespmem:s6+$0x1950]  }
0x95: {  	v6 =	vld [tilespmem:s6+$0x14500]  }
0x96: {  	v11 =	vld [tilespmem:s6+$0x14510]  }
0x97: {  	v10 =	vld [tilespmem:s6+$0x14520]  }
0x98: {  	v9 =	vld [tilespmem:s6+$0x14530]  }
0x99: {  	v8 =	vld [tilespmem:s6+$0x14540]  }
0x9a: {  	v7 =	vld [tilespmem:s6+$0x14550];
	v12 =	vmul.f32 $1.131370830e+01, v6  }
0x9b: {  	s7 =	simm.s32 $0x200;
	v11 =	vmul.f32 $1.131370830e+01, v11;
	v6 =	vld [tilespmem:s6+$0x14560]  }
.LBB2_7:
0x9c: {  	p0 =	sne.s32 s7, $0x18E00;
	v5 =	vadd.f32 v5, v12;
	v10 =	vmul.f32 $1.131370830e+01, v10;
	v12 =	vld [tilespmem:s6+$0x14570]  }
0x9d: {  	v4 =	vadd.f32 v4, v11;
	v9 =	vmul.f32 $1.131370830e+01, v9;
	v11 =	vld [tilespmem:s6+$0x1960]  }
0x9e: {  	s8 =	sshra.s32 s7, $0x2;
	[tilespmem:s6+$0x14500] =	vst v5;
	v3 =	vadd.f32 v3, v10;
	v8 =	vmul.f32 $1.131370830e+01, v8;
	v10 =	vld [tilespmem:s6+$0x1970]  }
0x9f: {  	v5 =	vld [tilespmem:s8+$0x1900];
	[tilespmem:s6+$0x14510] =	vst v4;
	v2 =	vadd.f32 v2, v9;
	v7 =	vmul.f32 $1.131370830e+01, v7  }
0xa0: {  	v4 =	vld [tilespmem:s8+$0x1910];
	[tilespmem:s6+$0x14520] =	vst v3;
	v1 =	vadd.f32 v1, v8;
	v6 =	vmul.f32 $1.131370830e+01, v6  }
0xa1: {  	v3 =	vld [tilespmem:s8+$0x1920];
	[tilespmem:s6+$0x14530] =	vst v2;
	v0 =	vadd.f32 v0, v7;
	v7 =	vmul.f32 $1.131370830e+01, v12  }
0xa2: {  	v2 =	vld [tilespmem:s8+$0x1930];
	[tilespmem:s6+$0x14540] =	vst v1;
	v6 =	vadd.f32 v11, v6  }
0xa3: {  	v1 =	vld [tilespmem:s8+$0x1940];
	[tilespmem:s6+$0x14550] =	vst v0;
	v7 =	vadd.f32 v10, v7  }
0xa4: {  	v0 =	vld [tilespmem:s8+$0x1950];
	[tilespmem:s6+$0x14560] =	vst v6  }
0xa5: {  	v6 =	vld [tilespmem:s8+$0x14500];
	[tilespmem:s6+$0x14570] =	vst v7;
	s6 =	smov.u32 s8  }
0xa6: {  	v11 =	vld [tilespmem:s6+$0x14510]  }
.Ltmp2:
0xa7: {  	v10 =	vld [tilespmem:s6+$0x14520];
	(pc) =	sbr.rel @p0 .LBB2_7-.Ltmp2, $4  }
0xa8: {  	v9 =	vld [tilespmem:s6+$0x14530]  }
0xa9: {  	v8 =	vld [tilespmem:s6+$0x14540]  }
0xaa: {  	v12 =	vmul.f32 $1.131370830e+01, v6;
	v7 =	vld [tilespmem:s6+$0x14550]  }
0xab: {  	s7 =	sadd.s32 $0x200, s7;
	v11 =	vmul.f32 $1.131370830e+01, v11;
	v6 =	vld [tilespmem:s6+$0x14560]  }
0xac: {  	v5 =	vadd.f32 v5, v12;
	v12 =	vld [tilespmem:s6+$0x14570];
	v10 =	vmul.f32 $1.131370830e+01, v10  }
0xad: {  	v13 =	vld [tilespmem:s6+$0x1960];
	v4 =	vadd.f32 v4, v11;
	v9 =	vmul.f32 $1.131370830e+01, v9  }
0xae: {  	[tilespmem:s6+$0x14500] =	vst v5;
	v3 =	vadd.f32 v3, v10;
	v5 =	vmul.f32 $1.131370830e+01, v8;
	v8 =	vld [tilespmem:s6+$0x1970]  }
0xaf: {  	[tilespmem:s6+$0x14510] =	vst v4;
	v2 =	vadd.f32 v2, v9;
	v4 =	vmul.f32 $1.131370830e+01, v7  }
0xb0: {  	[tilespmem:s6+$0x14520] =	vst v3;
	v1 =	vadd.f32 v1, v5;
	v3 =	vmul.f32 $1.131370830e+01, v6  }
0xb1: {  	[tilespmem:s6+$0x14530] =	vst v2;
	v0 =	vadd.f32 v0, v4;
	v2 =	vmul.f32 $1.131370830e+01, v12  }
0xb2: {  	[tilespmem:s6+$0x14540] =	vst v1;
	v1 =	vadd.f32 v13, v3  }
0xb3: {  	s7 =	sadd.s32 s25, s10;
	[tilespmem:s6+$0x14550] =	vst v0;
	v0 =	vadd.f32 v8, v2  }
0xb4: {  	s7 =	sshll.u32 s7, $0x4;
	[tilespmem:s6+$0x14560] =	vst v1  }
0xb5: {  	s8 =	simm.s32 $0x0;
	s7 =	sadd.s32 s3, s7;
	[tilespmem:s6+$0x14570] =	vst v0  }
0xb6: {  	[hbm4b:s7+s8] =	stream.linear.scatter [tilespmem:s26], [sflag:$0x6], $0x6400, $0x38;
	[tilespmem:$0x1A900] =	vst v63  }
0xb7: {  	_ =	swait.ge [sflag:s0], $0x6400  }
0xb8: {  	[sflag:s0] =	ssyncset.done $0x0  }
0xb9: {  	s7 =	sadd.s32 $0x320, s25;
	[sflag:s0] =	ssyncadd.s32 $0xFFFF9C00  }
0xba: {  	[tilespmem:s20], [sflag:$0x2] =	stream.indirect.gather [hbm4b:s2+s15], $0x80, s7, s15, $0xb8;
	[tilespmem:$0x1A900] =	vst v63  }
0xbb: {  	s8 =	sadd.s32 $0x388, s25  }
0xbc: {  	[tilespmem:s22], [sflag:$0x2] =	stream.indirect.gather [hbm4b:s2+s17], $0x80, s8, s17, $0xb8;
	[tilespmem:$0x1A900] =	vst v63  }
0xbd: {  	_ =	swait.ge [sflag:s24], $0x3400  }
0xbe: {  	[sflag:s24] =	ssyncset.done $0x0  }
0xbf: {  	[sflag:s24] =	ssyncadd.s32 $0xFFFFCC00  }
0xc0: {  	_ =	swait.ge [sflag:s24], $0x3000  }
0xc1: {  	[sflag:s24] =	ssyncset.done $0x0  }
0xc2: {  	s6 =	simm.s32 $0x0;
	[sflag:s24] =	ssyncadd.s32 $0xFFFFD000  }
0xc3: {  	v5 =	vld [tilespmem:s6+$0x1900]  }
0xc4: {  	v4 =	vld [tilespmem:s6+$0x1910]  }
0xc5: {  	v3 =	vld [tilespmem:s6+$0x1920]  }
0xc6: {  	v2 =	vld [tilespmem:s6+$0x1930]  }
0xc7: {  	v1 =	vld [tilespmem:s6+$0x1940]  }
0xc8: {  	v0 =	vld [tilespmem:s6+$0x1950]  }
0xc9: {  	v6 =	vld [tilespmem:s6+$0x7D00]  }
0xca: {  	v11 =	vld [tilespmem:s6+$0x7D10]  }
0xcb: {  	v10 =	vld [tilespmem:s6+$0x7D20]  }
0xcc: {  	v9 =	vld [tilespmem:s6+$0x7D30]  }
0xcd: {  	v8 =	vld [tilespmem:s6+$0x7D40]  }
0xce: {  	v7 =	vld [tilespmem:s6+$0x7D50];
	v12 =	vmul.f32 $1.131370830e+01, v6  }
0xcf: {  	s7 =	simm.s32 $0x200;
	v11 =	vmul.f32 $1.131370830e+01, v11;
	v6 =	vld [tilespmem:s6+$0x7D60]  }
.LBB2_9:
0xd0: {  	p0 =	sne.s32 s7, $0x18E00;
	v5 =	vadd.f32 v5, v12;
	v10 =	vmul.f32 $1.131370830e+01, v10;
	v12 =	vld [tilespmem:s6+$0x7D70]  }
0xd1: {  	v4 =	vadd.f32 v4, v11;
	v9 =	vmul.f32 $1.131370830e+01, v9;
	v11 =	vld [tilespmem:s6+$0x1960]  }
0xd2: {  	s8 =	sshra.s32 s7, $0x2;
	[tilespmem:s6+$0x7D00] =	vst v5;
	v3 =	vadd.f32 v3, v10;
	v8 =	vmul.f32 $1.131370830e+01, v8;
	v10 =	vld [tilespmem:s6+$0x1970]  }
0xd3: {  	v5 =	vld [tilespmem:s8+$0x1900];
	[tilespmem:s6+$0x7D10] =	vst v4;
	v2 =	vadd.f32 v2, v9;
	v7 =	vmul.f32 $1.131370830e+01, v7  }
0xd4: {  	v4 =	vld [tilespmem:s8+$0x1910];
	[tilespmem:s6+$0x7D20] =	vst v3;
	v1 =	vadd.f32 v1, v8;
	v6 =	vmul.f32 $1.131370830e+01, v6  }
0xd5: {  	v3 =	vld [tilespmem:s8+$0x1920];
	[tilespmem:s6+$0x7D30] =	vst v2;
	v0 =	vadd.f32 v0, v7;
	v7 =	vmul.f32 $1.131370830e+01, v12  }
0xd6: {  	v2 =	vld [tilespmem:s8+$0x1930];
	[tilespmem:s6+$0x7D40] =	vst v1;
	v6 =	vadd.f32 v11, v6  }
0xd7: {  	v1 =	vld [tilespmem:s8+$0x1940];
	[tilespmem:s6+$0x7D50] =	vst v0;
	v7 =	vadd.f32 v10, v7  }
0xd8: {  	v0 =	vld [tilespmem:s8+$0x1950];
	[tilespmem:s6+$0x7D60] =	vst v6  }
0xd9: {  	v6 =	vld [tilespmem:s8+$0x7D00];
	[tilespmem:s6+$0x7D70] =	vst v7;
	s6 =	smov.u32 s8  }
0xda: {  	v11 =	vld [tilespmem:s6+$0x7D10]  }
.Ltmp3:
0xdb: {  	v10 =	vld [tilespmem:s6+$0x7D20];
	(pc) =	sbr.rel @p0 .LBB2_9-.Ltmp3, $4  }
0xdc: {  	v9 =	vld [tilespmem:s6+$0x7D30]  }
0xdd: {  	v8 =	vld [tilespmem:s6+$0x7D40]  }
0xde: {  	v12 =	vmul.f32 $1.131370830e+01, v6;
	v7 =	vld [tilespmem:s6+$0x7D50]  }
0xdf: {  	s7 =	sadd.s32 $0x200, s7;
	v11 =	vmul.f32 $1.131370830e+01, v11;
	v6 =	vld [tilespmem:s6+$0x7D60]  }
0xe0: {  	v5 =	vadd.f32 v5, v12;
	v56 =	vld [tilespmem:s6+$0x7D70];
	v10 =	vmul.f32 $1.131370830e+01, v10  }
0xe1: {  	v13 =	vld [tilespmem:s6+$0x1960];
	v4 =	vadd.f32 v4, v11;
	v9 =	vmul.f32 $1.131370830e+01, v9  }
0xe2: {  	v58 =	vld [tilespmem:s6+$0x1970];
	[tilespmem:s6+$0x7D00] =	vst v5;
	v3 =	vadd.f32 v3, v10;
	v57 =	vmul.f32 $1.131370830e+01, v8  }
0xe3: {  	[tilespmem:s6+$0x7D10] =	vst v4;
	v2 =	vadd.f32 v2, v9;
	v59 =	vmul.f32 $1.131370830e+01, v7  }
0xe4: {  	[tilespmem:s6+$0x7D20] =	vst v3;
	v1 =	vadd.f32 v1, v57;
	v60 =	vmul.f32 $1.131370830e+01, v6  }
0xe5: {  	p0 =	seq.s32 s21, $0x9;
	[tilespmem:s6+$0x7D30] =	vst v2;
	v0 =	vadd.f32 v0, v59;
	v61 =	vmul.f32 $1.131370830e+01, v56  }
.Ltmp4:
0xe6: {  	[tilespmem:s6+$0x7D40] =	vst v1;
	v62 =	vadd.f32 v13, v60;
	(pc) =	sbr.rel @p0 .LBB2_12-.Ltmp4, $4  }
0xe7: {  	s7 =	sadd.s32 s5, s28;
	[tilespmem:s6+$0x7D50] =	vst v0;
	v63 =	vadd.f32 v58, v61  }
0xe8: {  	s7 =	sshll.u32 s7, $0x4;
	[tilespmem:s6+$0x7D60] =	vst v62  }
0xe9: {  	s28 =	sadd.s32 s3, s7;
	[tilespmem:s6+$0x7D70] =	vst v63  }
0xea: {  	[hbm4b:s28+s4] =	stream.linear.scatter [tilespmem:s16], [sflag:$0x4], $0x6400, $0x38;
	[tilespmem:$0x1A900] =	vst v63  }
0xeb: {  	_ =	swait.ge [sflag:s13], $0x6400  }
.Ltmp5:
0xec: {  	[sflag:s13] =	ssyncset.done $0x0;
	(pc) =	sbr.rel .LBB2_4-.Ltmp5, $4  }
0xed: {  	s6 =	sadd.s32 $0x3E8, s25;
	[sflag:s13] =	ssyncadd.s32 $0xFFFF9C00  }
0xee: {  	[tilespmem:s26], [sflag:$0x3] =	stream.indirect.gather [hbm4b:s2+s15], $0x80, s6, s15, $0xb8;
	[tilespmem:$0x1A900] =	vst v63  }
0xef: {  	s28 =	sadd.s32 $0x450, s25;
	s21 =	sadd.s32 $0x1, s21  }
0xf0: {  	[tilespmem:s29], [sflag:$0x3] =	stream.indirect.gather [hbm4b:s2+s17], $0x80, s28, s17, $0xb8;
	[tilespmem:$0x1A900] =	vst v63  }
.LBB2_12:
0xf1: {  	_ =	swait.ge [sflag:s30], $0x3400  }
0xf2: {  	[sflag:s30] =	ssyncset.done $0x0  }
0xf3: {  	[sflag:s30] =	ssyncadd.s32 $0xFFFFCC00  }
0xf4: {  	_ =	swait.ge [sflag:s30], $0x3000  }
0xf5: {  	[sflag:s30] =	ssyncset.done $0x0  }
0xf6: {  	s6 =	simm.s32 $0x0;
	[sflag:s30] =	ssyncadd.s32 $0xFFFFD000  }
0xf7: {  	v5 =	vld [tilespmem:s6+$0x1900]  }
0xf8: {  	v4 =	vld [tilespmem:s6+$0x1910]  }
0xf9: {  	v3 =	vld [tilespmem:s6+$0x1920]  }
0xfa: {  	v2 =	vld [tilespmem:s6+$0x1930]  }
0xfb: {  	v1 =	vld [tilespmem:s6+$0x1940]  }
0xfc: {  	v0 =	vld [tilespmem:s6+$0x1950]  }
0xfd: {  	v6 =	vld [tilespmem:s6+$0xE100]  }
0xfe: {  	v11 =	vld [tilespmem:s6+$0xE110]  }
0xff: {  	v10 =	vld [tilespmem:s6+$0xE120]  }
0x100: {  	v9 =	vld [tilespmem:s6+$0xE130]  }
0x101: {  	v8 =	vld [tilespmem:s6+$0xE140]  }
0x102: {  	v7 =	vld [tilespmem:s6+$0xE150];
	v12 =	vmul.f32 $1.131370830e+01, v6  }
0x103: {  	s7 =	simm.s32 $0x200;
	v11 =	vmul.f32 $1.131370830e+01, v11;
	v6 =	vld [tilespmem:s6+$0xE160]  }
.LBB2_13:
0x104: {  	p0 =	sne.s32 s7, $0x18E00;
	v5 =	vadd.f32 v5, v12;
	v10 =	vmul.f32 $1.131370830e+01, v10;
	v12 =	vld [tilespmem:s6+$0xE170]  }
0x105: {  	v4 =	vadd.f32 v4, v11;
	v9 =	vmul.f32 $1.131370830e+01, v9;
	v11 =	vld [tilespmem:s6+$0x1960]  }
0x106: {  	s8 =	sshra.s32 s7, $0x2;
	[tilespmem:s6+$0xE100] =	vst v5;
	v3 =	vadd.f32 v3, v10;
	v8 =	vmul.f32 $1.131370830e+01, v8;
	v10 =	vld [tilespmem:s6+$0x1970]  }
0x107: {  	v5 =	vld [tilespmem:s8+$0x1900];
	[tilespmem:s6+$0xE110] =	vst v4;
	v2 =	vadd.f32 v2, v9;
	v7 =	vmul.f32 $1.131370830e+01, v7  }
0x108: {  	v4 =	vld [tilespmem:s8+$0x1910];
	[tilespmem:s6+$0xE120] =	vst v3;
	v1 =	vadd.f32 v1, v8;
	v6 =	vmul.f32 $1.131370830e+01, v6  }
0x109: {  	v3 =	vld [tilespmem:s8+$0x1920];
	[tilespmem:s6+$0xE130] =	vst v2;
	v0 =	vadd.f32 v0, v7;
	v7 =	vmul.f32 $1.131370830e+01, v12  }
0x10a: {  	v2 =	vld [tilespmem:s8+$0x1930];
	[tilespmem:s6+$0xE140] =	vst v1;
	v6 =	vadd.f32 v11, v6  }
0x10b: {  	v1 =	vld [tilespmem:s8+$0x1940];
	[tilespmem:s6+$0xE150] =	vst v0;
	v7 =	vadd.f32 v10, v7  }
0x10c: {  	v0 =	vld [tilespmem:s8+$0x1950];
	[tilespmem:s6+$0xE160] =	vst v6  }
0x10d: {  	v6 =	vld [tilespmem:s8+$0xE100];
	[tilespmem:s6+$0xE170] =	vst v7;
	s6 =	smov.u32 s8  }
0x10e: {  	v11 =	vld [tilespmem:s6+$0xE110]  }
.Ltmp6:
0x10f: {  	v10 =	vld [tilespmem:s6+$0xE120];
	(pc) =	sbr.rel @p0 .LBB2_13-.Ltmp6, $4  }
0x110: {  	v9 =	vld [tilespmem:s6+$0xE130]  }
0x111: {  	v8 =	vld [tilespmem:s6+$0xE140]  }
0x112: {  	v12 =	vmul.f32 $1.131370830e+01, v6;
	v7 =	vld [tilespmem:s6+$0xE150]  }
0x113: {  	s7 =	sadd.s32 $0x200, s7;
	v11 =	vmul.f32 $1.131370830e+01, v11;
	v6 =	vld [tilespmem:s6+$0xE160]  }
0x114: {  	v5 =	vadd.f32 v5, v12;
	v56 =	vld [tilespmem:s6+$0xE170];
	v10 =	vmul.f32 $1.131370830e+01, v10  }
0x115: {  	v13 =	vld [tilespmem:s6+$0x1960];
	v4 =	vadd.f32 v4, v11;
	v9 =	vmul.f32 $1.131370830e+01, v9  }
0x116: {  	v58 =	vld [tilespmem:s6+$0x1970];
	[tilespmem:s6+$0xE100] =	vst v5;
	v3 =	vadd.f32 v3, v10;
	v57 =	vmul.f32 $1.131370830e+01, v8  }
0x117: {  	[tilespmem:s6+$0xE110] =	vst v4;
	v2 =	vadd.f32 v2, v9;
	v59 =	vmul.f32 $1.131370830e+01, v7  }
0x118: {  	[tilespmem:s6+$0xE120] =	vst v3;
	v1 =	vadd.f32 v1, v57;
	v60 =	vmul.f32 $1.131370830e+01, v6  }
0x119: {  	[tilespmem:s6+$0xE130] =	vst v2;
	v0 =	vadd.f32 v0, v59;
	v61 =	vmul.f32 $1.131370830e+01, v56  }
0x11a: {  	[tilespmem:s6+$0xE140] =	vst v1;
	v62 =	vadd.f32 v13, v60  }
0x11b: {  	[tilespmem:s6+$0xE150] =	vst v0;
	v63 =	vadd.f32 v58, v61  }
0x11c: {  	[tilespmem:s6+$0xE160] =	vst v62  }
0x11d: {  	[tilespmem:s6+$0xE170] =	vst v63  }
0x11e: {  	[hbm4b:s11+s4] =	stream.linear.scatter [tilespmem:s20], [sflag:$0x5], $0x6400, $0x38;
	[tilespmem:$0x1A900] =	vst v63  }
0x11f: {  	_ =	swait.ge [sflag:s31], $0x6400  }
0x120: {  	[sflag:s31] =	ssyncset.done $0x0  }
0x121: {  	s19 =	sadd.s32 $0x1, s19;
	[sflag:s31] =	ssyncadd.s32 $0xFFFF9C00  }
0x122: {  	p0 =	sne.s32 s19, s12;
	_ =	swait.ge [sflag:s0], $0x6400  }
.Ltmp7:
0x123: {  	[sflag:s0] =	ssyncset.done $0x0;
	(pc) =	sbr.rel @p0 .LBB2_1-.Ltmp7, $4  }
0x124: {  	[sflag:s0] =	ssyncadd.s32 $0xFFFF9C00  }
0x125: {  	_ =	swait.ge [sflag:s13], $0x6400  }
0x126: {  	[sflag:s13] =	ssyncset.done $0x0  }
0x127: {  	[sflag:s13] =	ssyncadd.s32 $0xFFFF9C00  }
0x128: {  	_ =	sfence.sel $0x180000  }
0x129: {  	[bflag:$0x0] =	sbarrier.arrive $0xFFFF  }
0x12a: {  	_ =	strace $0x90000047  }
0x12b: {  	s0 =	stileid.u32;
	[bflag:$0x2] =	sbarrier.arrive $0xFFFF  }
0x12c: {  	p0 =	sne.s32 s0, $0x0;
	s0 =	rddreg [dreg:$0x3]  }
0x12d: {  	s0 =	sadd.s32 @!p0 $0x100000, s0  }
0x12e: {  	[sflag:s0] =	ssyncadd.tile.s32 @!p0 $0x1;
	_ =	shalt  }
.Lfunc_end2:
_tile_overlayer_lowered:
.L_overlay_start_2:
0x12f: {  	(tag) =	ssettag $0x2  }
0x130: {  	s0 =	rddreg [dreg:$0x0];
	s2 =	stileid.u32  }
0x131: {  	s1 =	rddreg [dreg:$0x1];
	p0 =	sne.s32 s2, $0x0  }
0x132: {  	s3 =	rddreg [dreg:$0x2];
	[bflag:$0x3] =	sbarrier.arrive $0xFFFF;
	s2 =	simm.s32 @!p0 $0x1C09  }
0x133: {  	[timem:s3], [sflag:s2] =	dma.local @!p0 [hbm:s0], s1  }
0x134: {  	s0 =	simm.s32 @!p0 $0x9  }
0x135: {  	_ =	swait.ge @!p0 [sflag:s0], s1  }
0x136: {  	s1 =	ssub.s32 @!p0 $0x0, s1;
	[sflag:s0] =	ssyncset.done @!p0 $0x0  }
0x137: {  	[sflag:s0] =	ssyncadd.s32 @!p0 s1  }
0x138: {  	[bflag:$0x3] =	sbarrier.arrive $0xFFFF  }
0x139: {  	_ =	shalt  }

</sc_bundles>
